<compile_context>
chip_gen: v7x
topology: tpu7x:2x2x1
jax: 0.10.2.dev20260603
libtpu: 0.0.44.dev20260713+nightly
codegen_flags: <defaults>
</compile_context>

<pallas_src>
import functools

import jax
import jax.numpy as jnp
from jax import lax
from jax.experimental import pallas as pl
from jax.experimental.pallas import tpu as pltpu
from jax.experimental.pallas import tpu_sc as plsc

NX, NY = 1000, 1000
DIM = 64
XMIN, XMAX, YMIN, YMAX = 0.0, 1.0, 0.0, 1.0
DX = (XMAX - XMIN) / NX
DY = (YMAX - YMIN) / NY

L = 16
CB = 128


@functools.lru_cache(maxsize=None)
def _build(n_points: int):
    info = plsc.get_sparse_core_info()
    nc, ns = info.num_cores, info.num_subcores
    nw = nc * ns
    npw = n_points // nw
    nu = npw // CB
    assert npw * nw == n_points and nu * CB == npw and nu % 2 == 0

    mesh = plsc.VectorSubcoreMesh(core_axis_name="c", subcore_axis_name="s")

    @functools.partial(
        pl.kernel,
        out_type=jax.ShapeDtypeStruct((n_points, DIM), jnp.float32),
        mesh=mesh,
        scratch_types=[
            [pltpu.VMEM((CB,), jnp.float32) for _ in range(2)],
            [pltpu.VMEM((CB,), jnp.float32) for _ in range(2)],
            [pltpu.VMEM((CB,), jnp.int32) for _ in range(2)],
            [pltpu.VMEM((CB,), jnp.int32) for _ in range(2)],
            [pltpu.VMEM((CB, 2 * DIM), jnp.float32) for _ in range(2)],
            [pltpu.VMEM((CB, 2 * DIM), jnp.float32) for _ in range(2)],
            [pltpu.VMEM((CB, DIM), jnp.float32) for _ in range(2)],
            [pltpu.SemaphoreType.DMA for _ in range(2)],
            [pltpu.SemaphoreType.DMA for _ in range(2)],
            [pltpu.SemaphoreType.DMA for _ in range(2)],
            pltpu.VMEM_SHARED((NX + 1, 2 * DIM), jnp.float32),
        ],
    )
    def lookup(xs_hbm, ys_hbm, comb_hbm, out_hbm,
               cxv, cyv, idxx, idxy, bufx, bufy, outb, semc, semg, semo,
               comb_sh):
        wid = lax.axis_index("s") * nc + lax.axis_index("c")
        wbase = wid * npw

        @pl.when(lax.axis_index("s") == 0)
        def _():
            pltpu.sync_copy(comb_hbm, comb_sh)
        plsc.subcore_barrier()

        def fire_coords(u, cs):
            gb = wbase + u * CB
            pltpu.async_copy(xs_hbm.at[pl.ds(gb, CB)], cxv[cs], semc[cs])
            pltpu.async_copy(ys_hbm.at[pl.ds(gb, CB)], cyv[cs], semc[cs])

        def wait_coords(cs):
            pltpu.make_async_copy(
                xs_hbm.at[pl.ds(0, CB)], cxv[cs], semc[cs]).wait()
            pltpu.make_async_copy(
                ys_hbm.at[pl.ds(0, CB)], cyv[cs], semc[cs]).wait()

        def stage(u, s):
            for j in range(CB // L):
                c = pl.ds(j * L, L)
                x = cxv[s][c]
                y = cyv[s][c]
                xi = ((x - XMIN) / DX).astype(jnp.int32)
                yi = ((y - YMIN) / DY).astype(jnp.int32)
                xi = jnp.where((xi > NX) | (xi < 0), NX, xi)
                yi = jnp.where((yi > NY) | (yi < 0), NY, yi)
                idxx[s][c] = xi
                idxy[s][c] = yi
            pltpu.async_copy(comb_sh.at[idxx[s]], bufx[s], semg[s])
            pltpu.async_copy(comb_sh.at[idxy[s]], bufy[s], semg[s])

            @pl.when(u + 2 < nu)
            def _():
                fire_coords(u + 2, s)

        def drain(u, s):
            @pl.when(u >= 2)
            def _():
                pltpu.make_async_copy(
                    outb[s], out_hbm.at[pl.ds(0, CB)], semo[s]).wait()
            pltpu.make_async_copy(
                comb_sh.at[idxx[s]], bufx[s], semg[s]).wait()
            pltpu.make_async_copy(
                comb_sh.at[idxy[s]], bufy[s], semg[s]).wait()

            def add_rows(i, c):
                for dr in range(2):
                    r = 2 * i + dr
                    for col in range(DIM // L):
                        sa = pl.ds(col * L, L)
                        sb = pl.ds(DIM + col * L, L)
                        outb[s][r, sa] = bufx[s][r, sa] + bufy[s][r, sb]
                return c
            lax.fori_loop(0, CB // 2, add_rows, 0)
            pltpu.async_copy(
                outb[s], out_hbm.at[pl.ds(wbase + u * CB, CB)], semo[s])

        for s in range(2):
            fire_coords(s, s)
        wait_coords(0)
        stage(0, 0)

        def pair_body(q, carry):
            b0 = 2 * q
            wait_coords(1)
            stage(b0 + 1, 1)
            drain(b0, 0)

            @pl.when(b0 + 2 < nu)
            def _():
                wait_coords(0)
                stage(b0 + 2, 0)
            drain(b0 + 1, 1)
            return carry

        lax.fori_loop(0, nu // 2, pair_body, 0)
        for s in range(2):
            pltpu.make_async_copy(
                outb[s], out_hbm.at[pl.ds(0, CB)], semo[s]).wait()

    return lookup


def kernel(T, ebdx_w, ebdy_w):
    b, h, _ = T.shape
    n = b * h
    xs = jnp.minimum(T[:, :, 0], 2.0).reshape(n)
    ys = jnp.minimum(T[:, :, 1], 2.0).reshape(n)
    comb = jnp.concatenate([ebdx_w, ebdy_w], axis=1)
    out = _build(n)(xs, ys, comb)
    return out.reshape(b, h, DIM)

# --- scband reference (transcript-rebuilt; emitter-appended) ---
"""Pipeline reference for scband-gxy-ebd-5068061409297 (READ-ONLY COPY).

The authoritative reference and input builder live on the scoring server;
editing this copy changes nothing except your own understanding.
"""

import jax, jax.numpy as jnp
import numpy as np

# GridSpace constants: bbox normalized to [0,1]x[0,1], nxy=(1000,1000)
NX, NY = 1000, 1000
DIM = 64
XMIN, XMAX, YMIN, YMAX = 0.0, 1.0, 0.0, 1.0
DX = (XMAX - XMIN) / NX
DY = (YMAX - YMIN) / NY
BATCH, HIST = 4096, 200


def setup_inputs(seed: int = 0) -> dict:
    key = jax.random.key(seed)
    k1, k2, k3 = jax.random.split(key, 3)
    # trajectory coordinates in bbox: [B, L, 2] float32
    T = jax.random.uniform(k1, (BATCH, HIST, 2), dtype=jnp.float32, minval=XMIN, maxval=XMAX)
    # reset_param_uniform: uniform(-1/sqrt(dim), 1/sqrt(dim)); padding_idx row (last) zeroed
    bound = 1.0 / np.sqrt(DIM)
    ebdx_w = jax.random.uniform(k2, (NX + 1, DIM), dtype=jnp.float32, minval=-bound, maxval=bound)
    ebdx_w = ebdx_w.at[NX].set(0.0)
    ebdy_w = jax.random.uniform(k3, (NY + 1, DIM), dtype=jnp.float32, minval=-bound, maxval=bound)
    ebdy_w = ebdy_w.at[NY].set(0.0)
    return {"T": T, "ebdx_w": ebdx_w, "ebdy_w": ebdy_w}


def reference(T, ebdx_w, ebdy_w):
    # GxyEbd.__call__ with is_grid=False, 3-D T
    x = T[:, :, 0]
    y = T[:, :, 1]
    xi = ((x - XMIN) / DX).astype(jnp.int32)  # torch .int() truncates toward zero; matches astype for non-negative
    yi = ((y - YMIN) / DY).astype(jnp.int32)
    xi = jnp.where((xi > NX) | (xi < 0), NX, xi)
    yi = jnp.where((yi > NY) | (yi < 0), NY, yi)
    # embedding lookups: ebdx(x) + ebdy(y)
    return jnp.take(ebdx_w, xi, axis=0) + jnp.take(ebdy_w, yi, axis=0)

if __name__ == "__main__":
    import jax
    _d = setup_inputs()
    print(jax.jit(kernel)(*tuple(_d.values())))

</pallas_src>

<mosaic_0001>
#map = affine_map<(d0, d1) -> (0)>
#map1 = affine_map<(d0, d1) -> (0, 0)>
module attributes {stable_mosaic.version = 14 : i64} {
  func.func @lookup(%arg0: i32, %arg1: i32, %arg2: memref<819200xf32, #tpu.memory_space<hbm>>, %arg3: memref<819200xf32, #tpu.memory_space<hbm>>, %arg4: memref<1001x128xf32, #tpu.memory_space<hbm>>, %arg5: memref<819200x64xf32, #tpu.memory_space<hbm>>, %arg6: memref<128xf32, #tpu.memory_space<vmem>>, %arg7: memref<128xf32, #tpu.memory_space<vmem>>, %arg8: memref<128xf32, #tpu.memory_space<vmem>>, %arg9: memref<128xf32, #tpu.memory_space<vmem>>, %arg10: memref<128xi32, #tpu.memory_space<vmem>>, %arg11: memref<128xi32, #tpu.memory_space<vmem>>, %arg12: memref<128xi32, #tpu.memory_space<vmem>>, %arg13: memref<128xi32, #tpu.memory_space<vmem>>, %arg14: memref<128x128xf32, #tpu.memory_space<vmem>>, %arg15: memref<128x128xf32, #tpu.memory_space<vmem>>, %arg16: memref<128x128xf32, #tpu.memory_space<vmem>>, %arg17: memref<128x128xf32, #tpu.memory_space<vmem>>, %arg18: memref<128x64xf32, #tpu.memory_space<vmem>>, %arg19: memref<128x64xf32, #tpu.memory_space<vmem>>, %arg20: memref<!tpu.dma_semaphore, #tpu.memory_space<semaphore_mem>>, %arg21: memref<!tpu.dma_semaphore, #tpu.memory_space<semaphore_mem>>, %arg22: memref<!tpu.dma_semaphore, #tpu.memory_space<semaphore_mem>>, %arg23: memref<!tpu.dma_semaphore, #tpu.memory_space<semaphore_mem>>, %arg24: memref<!tpu.dma_semaphore, #tpu.memory_space<semaphore_mem>>, %arg25: memref<!tpu.dma_semaphore, #tpu.memory_space<semaphore_mem>>, %arg26: memref<1001x128xf32, #tpu.memory_space<vmem_shared>>) attributes {dimension_semantics = [#tpu.dimension_semantics<core_parallel>, #tpu.dimension_semantics<subcore_parallel>], iteration_bounds = array<i64: 2, 16>, scalar_prefetch = 0 : i64, scratch_operands = 21 : i64, tpu.core_type = #tpu.core_type<sc_vector_subcore>, window_params = [{transform_indices = #map}, {transform_indices = #map}, {transform_indices = #map1}, {transform_indices = #map1}]} {
    %mul3A = arith.constant 2 : i32
    %mul3A_0 = arith.muli %arg1, %mul3A : i32
    %add3A = arith.addi %mul3A_0, %arg0 : i32
    %mul3A_1 = arith.constant 25600 : i32
    %mul3A_2 = arith.muli %add3A, %mul3A_1 : i32
    %eq3A = arith.constant 0 : i32
    %eq3A_3 = arith.cmpi eq, %arg1, %eq3A : i32
    %convert_element_type3A = arith.extui %eq3A_3 : i1 to i32
    %cond3A = arith.constant 0 : i32
    %cond3A_4 = arith.cmpi ne, %convert_element_type3A, %cond3A : i32
    scf.if %cond3A_4 {
      "tpu.region"() ({
        %run_scoped3A = tpu.sem_alloc : memref<!tpu.dma_semaphore, #tpu.memory_space<semaphore_mem>>
        tpu.enqueue_dma source(%arg4 : memref<1001x128xf32, #tpu.memory_space<hbm>>) target(%arg26 : memref<1001x128xf32, #tpu.memory_space<vmem_shared>>) target_semaphore(%run_scoped3A : memref<!tpu.dma_semaphore, #tpu.memory_space<semaphore_mem>>)
        tpu.wait_dma2 semaphore(%run_scoped3A : memref<!tpu.dma_semaphore, #tpu.memory_space<semaphore_mem>>) src(%arg4 : memref<1001x128xf32, #tpu.memory_space<hbm>>) dst(%arg26 : memref<1001x128xf32, #tpu.memory_space<vmem_shared>>)
        tpu.yield
      }) : () -> ()
    } else {
    }
    %barrier3A = arith.constant 0 : index
    tpu.barrier barrier_id(%barrier3A)
    %add3A_5 = arith.constant 0 : i32
    %add3A_6 = arith.addi %mul3A_2, %add3A_5 : i32
    %dma_start3A = tpu.memref_slice %arg2[%add3A_6] : memref<819200xf32, #tpu.memory_space<hbm>> -> memref<128xf32, #tpu.memory_space<hbm>>
    %dma_start3A_7 = tpu.memref_slice %arg2[%add3A_6] : memref<819200xf32, #tpu.memory_space<hbm>> -> memref<128xf32, #tpu.memory_space<hbm>>
    tpu.enqueue_dma source(%dma_start3A_7 : memref<128xf32, #tpu.memory_space<hbm>>) target(%arg6 : memref<128xf32, #tpu.memory_space<vmem>>) target_semaphore(%arg20 : memref<!tpu.dma_semaphore, #tpu.memory_space<semaphore_mem>>)
    %dma_start3A_8 = tpu.memref_slice %arg3[%add3A_6] : memref<819200xf32, #tpu.memory_space<hbm>> -> memref<128xf32, #tpu.memory_space<hbm>>
    %dma_start3A_9 = tpu.memref_slice %arg3[%add3A_6] : memref<819200xf32, #tpu.memory_space<hbm>> -> memref<128xf32, #tpu.memory_space<hbm>>
    tpu.enqueue_dma source(%dma_start3A_9 : memref<128xf32, #tpu.memory_space<hbm>>) target(%arg8 : memref<128xf32, #tpu.memory_space<vmem>>) target_semaphore(%arg20 : memref<!tpu.dma_semaphore, #tpu.memory_space<semaphore_mem>>)
    %add3A_10 = arith.constant 128 : i32
    %add3A_11 = arith.addi %mul3A_2, %add3A_10 : i32
    %dma_start3A_12 = tpu.memref_slice %arg2[%add3A_11] : memref<819200xf32, #tpu.memory_space<hbm>> -> memref<128xf32, #tpu.memory_space<hbm>>
    %dma_start3A_13 = tpu.memref_slice %arg2[%add3A_11] : memref<819200xf32, #tpu.memory_space<hbm>> -> memref<128xf32, #tpu.memory_space<hbm>>
    tpu.enqueue_dma source(%dma_start3A_13 : memref<128xf32, #tpu.memory_space<hbm>>) target(%arg7 : memref<128xf32, #tpu.memory_space<vmem>>) target_semaphore(%arg21 : memref<!tpu.dma_semaphore, #tpu.memory_space<semaphore_mem>>)
    %dma_start3A_14 = tpu.memref_slice %arg3[%add3A_11] : memref<819200xf32, #tpu.memory_space<hbm>> -> memref<128xf32, #tpu.memory_space<hbm>>
    %dma_start3A_15 = tpu.memref_slice %arg3[%add3A_11] : memref<819200xf32, #tpu.memory_space<hbm>> -> memref<128xf32, #tpu.memory_space<hbm>>
    tpu.enqueue_dma source(%dma_start3A_15 : memref<128xf32, #tpu.memory_space<hbm>>) target(%arg9 : memref<128xf32, #tpu.memory_space<vmem>>) target_semaphore(%arg21 : memref<!tpu.dma_semaphore, #tpu.memory_space<semaphore_mem>>)
    %dma_wait3A = arith.constant 0 : i32
    %dma_wait3A_16 = tpu.memref_slice %arg2[%dma_wait3A] : memref<819200xf32, #tpu.memory_space<hbm>> -> memref<128xf32, #tpu.memory_space<hbm>>
    %dma_wait3A_17 = arith.constant 0 : i32
    %dma_wait3A_18 = tpu.memref_slice %arg2[%dma_wait3A_17] : memref<819200xf32, #tpu.memory_space<hbm>> -> memref<128xf32, #tpu.memory_space<hbm>>
    tpu.wait_dma2 semaphore(%arg20 : memref<!tpu.dma_semaphore, #tpu.memory_space<semaphore_mem>>) src(%dma_wait3A_18 : memref<128xf32, #tpu.memory_space<hbm>>) dst(%arg6 : memref<128xf32, #tpu.memory_space<vmem>>)
    %dma_wait3A_19 = arith.constant 0 : i32
    %dma_wait3A_20 = tpu.memref_slice %arg3[%dma_wait3A_19] : memref<819200xf32, #tpu.memory_space<hbm>> -> memref<128xf32, #tpu.memory_space<hbm>>
    %dma_wait3A_21 = arith.constant 0 : i32
    %dma_wait3A_22 = tpu.memref_slice %arg3[%dma_wait3A_21] : memref<819200xf32, #tpu.memory_space<hbm>> -> memref<128xf32, #tpu.memory_space<hbm>>
    tpu.wait_dma2 semaphore(%arg20 : memref<!tpu.dma_semaphore, #tpu.memory_space<semaphore_mem>>) src(%dma_wait3A_22 : memref<128xf32, #tpu.memory_space<hbm>>) dst(%arg8 : memref<128xf32, #tpu.memory_space<vmem>>)
    %get3A = arith.constant 0 : index
    %get3A_23 = tpu.vector_load %arg6[%get3A] {strides = array<i32>} : memref<128xf32, #tpu.memory_space<vmem>>, vector<16xf32>,
    %get3A_24 = vector.shape_cast %get3A_23 : vector<16xf32> to vector<16xf32>
    %get3A_25 = arith.constant 0 : index
    %get3A_26 = tpu.vector_load %arg8[%get3A_25] {strides = array<i32>} : memref<128xf32, #tpu.memory_space<vmem>>, vector<16xf32>,
    %get3A_27 = vector.shape_cast %get3A_26 : vector<16xf32> to vector<16xf32>
    %sub3A = arith.constant 0.000000e+00 : f32
    %sub3A_28 = vector.broadcast %sub3A : f32 to vector<16xf32>
    %sub3A_29 = arith.subf %get3A_24, %sub3A_28 : vector<16xf32>
    %div3A = arith.constant 1.000000e-03 : f32
    %div3A_30 = vector.broadcast %div3A : f32 to vector<16xf32>
    %div3A_31 = arith.divf %sub3A_29, %div3A_30 : vector<16xf32>
    %convert_element_type3A_32 = arith.fptosi %div3A_31 : vector<16xf32> to vector<16xi32>
    %sub3A_33 = arith.constant 0.000000e+00 : f32
    %sub3A_34 = vector.broadcast %sub3A_33 : f32 to vector<16xf32>
    %sub3A_35 = arith.subf %get3A_27, %sub3A_34 : vector<16xf32>
    %div3A_36 = arith.constant 1.000000e-03 : f32
    %div3A_37 = vector.broadcast %div3A_36 : f32 to vector<16xf32>
    %div3A_38 = arith.divf %sub3A_35, %div3A_37 : vector<16xf32>
    %convert_element_type3A_39 = arith.fptosi %div3A_38 : vector<16xf32> to vector<16xi32>
    %gt3A = arith.constant 1000 : i32
    %gt3A_40 = vector.broadcast %gt3A : i32 to vector<16xi32>
    %gt3A_41 = arith.cmpi sgt, %convert_element_type3A_32, %gt3A_40 : vector<16xi32>
    %lt3A = arith.constant 0 : i32
    %lt3A_42 = vector.broadcast %lt3A : i32 to vector<16xi32>
    %lt3A_43 = arith.cmpi slt, %convert_element_type3A_32, %lt3A_42 : vector<16xi32>
    %or3A = arith.ori %gt3A_41, %lt3A_43 : vector<16xi1>
    %jit3A = arith.constant 1000 : i32
    %broadcast_in_dim3A = vector.broadcast %jit3A : i32 to vector<16xi32>
    %select_n3A = arith.select %or3A, %broadcast_in_dim3A, %convert_element_type3A_32 : vector<16xi1>, vector<16xi32>
    %gt3A_44 = arith.constant 1000 : i32
    %gt3A_45 = vector.broadcast %gt3A_44 : i32 to vector<16xi32>
    %gt3A_46 = arith.cmpi sgt, %convert_element_type3A_39, %gt3A_45 : vector<16xi32>
    %lt3A_47 = arith.constant 0 : i32
    %lt3A_48 = vector.broadcast %lt3A_47 : i32 to vector<16xi32>
    %lt3A_49 = arith.cmpi slt, %convert_element_type3A_39, %lt3A_48 : vector<16xi32>
    %or3A_50 = arith.ori %gt3A_46, %lt3A_49 : vector<16xi1>
    %jit3A_51 = arith.constant 1000 : i32
    %broadcast_in_dim3A_52 = vector.broadcast %jit3A_51 : i32 to vector<16xi32>
    %select_n3A_53 = arith.select %or3A_50, %broadcast_in_dim3A_52, %convert_element_type3A_39 : vector<16xi1>, vector<16xi32>
    %swap3A = arith.constant 0 : index
    %swap3A_54 = tpu.vector_load %arg10[%swap3A] {strides = array<i32>} : memref<128xi32, #tpu.memory_space<vmem>>, vector<16xi32>,
    %swap3A_55 = vector.shape_cast %swap3A_54 : vector<16xi32> to vector<16xi32>
    %swap3A_56 = vector.shape_cast %select_n3A : vector<16xi32> to vector<16xi32>
    tpu.vector_store %arg10[%swap3A], %swap3A_56 {strides = array<i32>} : memref<128xi32, #tpu.memory_space<vmem>>, vector<16xi32>,
    %swap3A_57 = arith.constant 0 : index
    %swap3A_58 = tpu.vector_load %arg12[%swap3A_57] {strides = array<i32>} : memref<128xi32, #tpu.memory_space<vmem>>, vector<16xi32>,
    %swap3A_59 = vector.shape_cast %swap3A_58 : vector<16xi32> to vector<16xi32>
    %swap3A_60 = vector.shape_cast %select_n3A_53 : vector<16xi32> to vector<16xi32>
    tpu.vector_store %arg12[%swap3A_57], %swap3A_60 {strides = array<i32>} : memref<128xi32, #tpu.memory_space<vmem>>, vector<16xi32>,
    %get3A_61 = arith.constant 16 : index
    %get3A_62 = tpu.vector_load %arg6[%get3A_61] {strides = array<i32>} : memref<128xf32, #tpu.memory_space<vmem>>, vector<16xf32>,
    %get3A_63 = vector.shape_cast %get3A_62 : vector<16xf32> to vector<16xf32>
    %get3A_64 = arith.constant 16 : index
    %get3A_65 = tpu.vector_load %arg8[%get3A_64] {strides = array<i32>} : memref<128xf32, #tpu.memory_space<vmem>>, vector<16xf32>,
    %get3A_66 = vector.shape_cast %get3A_65 : vector<16xf32> to vector<16xf32>
    %sub3A_67 = arith.constant 0.000000e+00 : f32
    %sub3A_68 = vector.broadcast %sub3A_67 : f32 to vector<16xf32>
    %sub3A_69 = arith.subf %get3A_63, %sub3A_68 : vector<16xf32>
    %div3A_70 = arith.constant 1.000000e-03 : f32
    %div3A_71 = vector.broadcast %div3A_70 : f32 to vector<16xf32>
    %div3A_72 = arith.divf %sub3A_69, %div3A_71 : vector<16xf32>
    %convert_element_type3A_73 = arith.fptosi %div3A_72 : vector<16xf32> to vector<16xi32>
    %sub3A_74 = arith.constant 0.000000e+00 : f32
    %sub3A_75 = vector.broadcast %sub3A_74 : f32 to vector<16xf32>
    %sub3A_76 = arith.subf %get3A_66, %sub3A_75 : vector<16xf32>
    %div3A_77 = arith.constant 1.000000e-03 : f32
    %div3A_78 = vector.broadcast %div3A_77 : f32 to vector<16xf32>
    %div3A_79 = arith.divf %sub3A_76, %div3A_78 : vector<16xf32>
    %convert_element_type3A_80 = arith.fptosi %div3A_79 : vector<16xf32> to vector<16xi32>
    %gt3A_81 = arith.constant 1000 : i32
    %gt3A_82 = vector.broadcast %gt3A_81 : i32 to vector<16xi32>
    %gt3A_83 = arith.cmpi sgt, %convert_element_type3A_73, %gt3A_82 : vector<16xi32>
    %lt3A_84 = arith.constant 0 : i32
    %lt3A_85 = vector.broadcast %lt3A_84 : i32 to vector<16xi32>
    %lt3A_86 = arith.cmpi slt, %convert_element_type3A_73, %lt3A_85 : vector<16xi32>
    %or3A_87 = arith.ori %gt3A_83, %lt3A_86 : vector<16xi1>
    %jit3A_88 = arith.constant 1000 : i32
    %broadcast_in_dim3A_89 = vector.broadcast %jit3A_88 : i32 to vector<16xi32>
    %select_n3A_90 = arith.select %or3A_87, %broadcast_in_dim3A_89, %convert_element_type3A_73 : vector<16xi1>, vector<16xi32>
    %gt3A_91 = arith.constant 1000 : i32
    %gt3A_92 = vector.broadcast %gt3A_91 : i32 to vector<16xi32>
    %gt3A_93 = arith.cmpi sgt, %convert_element_type3A_80, %gt3A_92 : vector<16xi32>
    %lt3A_94 = arith.constant 0 : i32
    %lt3A_95 = vector.broadcast %lt3A_94 : i32 to vector<16xi32>
    %lt3A_96 = arith.cmpi slt, %convert_element_type3A_80, %lt3A_95 : vector<16xi32>
    %or3A_97 = arith.ori %gt3A_93, %lt3A_96 : vector<16xi1>
    %jit3A_98 = arith.constant 1000 : i32
    %broadcast_in_dim3A_99 = vector.broadcast %jit3A_98 : i32 to vector<16xi32>
    %select_n3A_100 = arith.select %or3A_97, %broadcast_in_dim3A_99, %convert_element_type3A_80 : vector<16xi1>, vector<16xi32>
    %swap3A_101 = arith.constant 16 : index
    %swap3A_102 = tpu.vector_load %arg10[%swap3A_101] {strides = array<i32>} : memref<128xi32, #tpu.memory_space<vmem>>, vector<16xi32>,
    %swap3A_103 = vector.shape_cast %swap3A_102 : vector<16xi32> to vector<16xi32>
    %swap3A_104 = vector.shape_cast %select_n3A_90 : vector<16xi32> to vector<16xi32>
    tpu.vector_store %arg10[%swap3A_101], %swap3A_104 {strides = array<i32>} : memref<128xi32, #tpu.memory_space<vmem>>, vector<16xi32>,
    %swap3A_105 = arith.constant 16 : index
    %swap3A_106 = tpu.vector_load %arg12[%swap3A_105] {strides = array<i32>} : memref<128xi32, #tpu.memory_space<vmem>>, vector<16xi32>,
    %swap3A_107 = vector.shape_cast %swap3A_106 : vector<16xi32> to vector<16xi32>
    %swap3A_108 = vector.shape_cast %select_n3A_100 : vector<16xi32> to vector<16xi32>
    tpu.vector_store %arg12[%swap3A_105], %swap3A_108 {strides = array<i32>} : memref<128xi32, #tpu.memory_space<vmem>>, vector<16xi32>,
    %get3A_109 = arith.constant 32 : index
    %get3A_110 = tpu.vector_load %arg6[%get3A_109] {strides = array<i32>} : memref<128xf32, #tpu.memory_space<vmem>>, vector<16xf32>,
    %get3A_111 = vector.shape_cast %get3A_110 : vector<16xf32> to vector<16xf32>
    %get3A_112 = arith.constant 32 : index
    %get3A_113 = tpu.vector_load %arg8[%get3A_112] {strides = array<i32>} : memref<128xf32, #tpu.memory_space<vmem>>, vector<16xf32>,
    %get3A_114 = vector.shape_cast %get3A_113 : vector<16xf32> to vector<16xf32>
    %sub3A_115 = arith.constant 0.000000e+00 : f32
    %sub3A_116 = vector.broadcast %sub3A_115 : f32 to vector<16xf32>
    %sub3A_117 = arith.subf %get3A_111, %sub3A_116 : vector<16xf32>
    %div3A_118 = arith.constant 1.000000e-03 : f32
    %div3A_119 = vector.broadcast %div3A_118 : f32 to vector<16xf32>
    %div3A_120 = arith.divf %sub3A_117, %div3A_119 : vector<16xf32>
    %convert_element_type3A_121 = arith.fptosi %div3A_120 : vector<16xf32> to vector<16xi32>
    %sub3A_122 = arith.constant 0.000000e+00 : f32
    %sub3A_123 = vector.broadcast %sub3A_122 : f32 to vector<16xf32>
    %sub3A_124 = arith.subf %get3A_114, %sub3A_123 : vector<16xf32>
    %div3A_125 = arith.constant 1.000000e-03 : f32
    %div3A_126 = vector.broadcast %div3A_125 : f32 to vector<16xf32>
    %div3A_127 = arith.divf %sub3A_124, %div3A_126 : vector<16xf32>
    %convert_element_type3A_128 = arith.fptosi %div3A_127 : vector<16xf32> to vector<16xi32>
    %gt3A_129 = arith.constant 1000 : i32
    %gt3A_130 = vector.broadcast %gt3A_129 : i32 to vector<16xi32>
    %gt3A_131 = arith.cmpi sgt, %convert_element_type3A_121, %gt3A_130 : vector<16xi32>
    %lt3A_132 = arith.constant 0 : i32
    %lt3A_133 = vector.broadcast %lt3A_132 : i32 to vector<16xi32>
    %lt3A_134 = arith.cmpi slt, %convert_element_type3A_121, %lt3A_133 : vector<16xi32>
    %or3A_135 = arith.ori %gt3A_131, %lt3A_134 : vector<16xi1>
    %jit3A_136 = arith.constant 1000 : i32
    %broadcast_in_dim3A_137 = vector.broadcast %jit3A_136 : i32 to vector<16xi32>
    %select_n3A_138 = arith.select %or3A_135, %broadcast_in_dim3A_137, %convert_element_type3A_121 : vector<16xi1>, vector<16xi32>
    %gt3A_139 = arith.constant 1000 : i32
    %gt3A_140 = vector.broadcast %gt3A_139 : i32 to vector<16xi32>
    %gt3A_141 = arith.cmpi sgt, %convert_element_type3A_128, %gt3A_140 : vector<16xi32>
    %lt3A_142 = arith.constant 0 : i32
    %lt3A_143 = vector.broadcast %lt3A_142 : i32 to vector<16xi32>
    %lt3A_144 = arith.cmpi slt, %convert_element_type3A_128, %lt3A_143 : vector<16xi32>
    %or3A_145 = arith.ori %gt3A_141, %lt3A_144 : vector<16xi1>
    %jit3A_146 = arith.constant 1000 : i32
    %broadcast_in_dim3A_147 = vector.broadcast %jit3A_146 : i32 to vector<16xi32>
    %select_n3A_148 = arith.select %or3A_145, %broadcast_in_dim3A_147, %convert_element_type3A_128 : vector<16xi1>, vector<16xi32>
    %swap3A_149 = arith.constant 32 : index
    %swap3A_150 = tpu.vector_load %arg10[%swap3A_149] {strides = array<i32>} : memref<128xi32, #tpu.memory_space<vmem>>, vector<16xi32>,
    %swap3A_151 = vector.shape_cast %swap3A_150 : vector<16xi32> to vector<16xi32>
    %swap3A_152 = vector.shape_cast %select_n3A_138 : vector<16xi32> to vector<16xi32>
    tpu.vector_store %arg10[%swap3A_149], %swap3A_152 {strides = array<i32>} : memref<128xi32, #tpu.memory_space<vmem>>, vector<16xi32>,
    %swap3A_153 = arith.constant 32 : index
    %swap3A_154 = tpu.vector_load %arg12[%swap3A_153] {strides = array<i32>} : memref<128xi32, #tpu.memory_space<vmem>>, vector<16xi32>,
    %swap3A_155 = vector.shape_cast %swap3A_154 : vector<16xi32> to vector<16xi32>
    %swap3A_156 = vector.shape_cast %select_n3A_148 : vector<16xi32> to vector<16xi32>
    tpu.vector_store %arg12[%swap3A_153], %swap3A_156 {strides = array<i32>} : memref<128xi32, #tpu.memory_space<vmem>>, vector<16xi32>,
    %get3A_157 = arith.constant 48 : index
    %get3A_158 = tpu.vector_load %arg6[%get3A_157] {strides = array<i32>} : memref<128xf32, #tpu.memory_space<vmem>>, vector<16xf32>,
    %get3A_159 = vector.shape_cast %get3A_158 : vector<16xf32> to vector<16xf32>
    %get3A_160 = arith.constant 48 : index
    %get3A_161 = tpu.vector_load %arg8[%get3A_160] {strides = array<i32>} : memref<128xf32, #tpu.memory_space<vmem>>, vector<16xf32>,
    %get3A_162 = vector.shape_cast %get3A_161 : vector<16xf32> to vector<16xf32>
    %sub3A_163 = arith.constant 0.000000e+00 : f32
    %sub3A_164 = vector.broadcast %sub3A_163 : f32 to vector<16xf32>
    %sub3A_165 = arith.subf %get3A_159, %sub3A_164 : vector<16xf32>
    %div3A_166 = arith.constant 1.000000e-03 : f32
    %div3A_167 = vector.broadcast %div3A_166 : f32 to vector<16xf32>
    %div3A_168 = arith.divf %sub3A_165, %div3A_167 : vector<16xf32>
    %convert_element_type3A_169 = arith.fptosi %div3A_168 : vector<16xf32> to vector<16xi32>
    %sub3A_170 = arith.constant 0.000000e+00 : f32
    %sub3A_171 = vector.broadcast %sub3A_170 : f32 to vector<16xf32>
    %sub3A_172 = arith.subf %get3A_162, %sub3A_171 : vector<16xf32>
    %div3A_173 = arith.constant 1.000000e-03 : f32
    %div3A_174 = vector.broadcast %div3A_173 : f32 to vector<16xf32>
    %div3A_175 = arith.divf %sub3A_172, %div3A_174 : vector<16xf32>
    %convert_element_type3A_176 = arith.fptosi %div3A_175 : vector<16xf32> to vector<16xi32>
    %gt3A_177 = arith.constant 1000 : i32
    %gt3A_178 = vector.broadcast %gt3A_177 : i32 to vector<16xi32>
    %gt3A_179 = arith.cmpi sgt, %convert_element_type3A_169, %gt3A_178 : vector<16xi32>
    %lt3A_180 = arith.constant 0 : i32
    %lt3A_181 = vector.broadcast %lt3A_180 : i32 to vector<16xi32>
    %lt3A_182 = arith.cmpi slt, %convert_element_type3A_169, %lt3A_181 : vector<16xi32>
    %or3A_183 = arith.ori %gt3A_179, %lt3A_182 : vector<16xi1>
    %jit3A_184 = arith.constant 1000 : i32
    %broadcast_in_dim3A_185 = vector.broadcast %jit3A_184 : i32 to vector<16xi32>
    %select_n3A_186 = arith.select %or3A_183, %broadcast_in_dim3A_185, %convert_element_type3A_169 : vector<16xi1>, vector<16xi32>
    %gt3A_187 = arith.constant 1000 : i32
    %gt3A_188 = vector.broadcast %gt3A_187 : i32 to vector<16xi32>
    %gt3A_189 = arith.cmpi sgt, %convert_element_type3A_176, %gt3A_188 : vector<16xi32>
    %lt3A_190 = arith.constant 0 : i32
    %lt3A_191 = vector.broadcast %lt3A_190 : i32 to vector<16xi32>
    %lt3A_192 = arith.cmpi slt, %convert_element_type3A_176, %lt3A_191 : vector<16xi32>
    %or3A_193 = arith.ori %gt3A_189, %lt3A_192 : vector<16xi1>
    %jit3A_194 = arith.constant 1000 : i32
    %broadcast_in_dim3A_195 = vector.broadcast %jit3A_194 : i32 to vector<16xi32>
    %select_n3A_196 = arith.select %or3A_193, %broadcast_in_dim3A_195, %convert_element_type3A_176 : vector<16xi1>, vector<16xi32>
    %swap3A_197 = arith.constant 48 : index
    %swap3A_198 = tpu.vector_load %arg10[%swap3A_197] {strides = array<i32>} : memref<128xi32, #tpu.memory_space<vmem>>, vector<16xi32>,
    %swap3A_199 = vector.shape_cast %swap3A_198 : vector<16xi32> to vector<16xi32>
    %swap3A_200 = vector.shape_cast %select_n3A_186 : vector<16xi32> to vector<16xi32>
    tpu.vector_store %arg10[%swap3A_197], %swap3A_200 {strides = array<i32>} : memref<128xi32, #tpu.memory_space<vmem>>, vector<16xi32>,
    %swap3A_201 = arith.constant 48 : index
    %swap3A_202 = tpu.vector_load %arg12[%swap3A_201] {strides = array<i32>} : memref<128xi32, #tpu.memory_space<vmem>>, vector<16xi32>,
    %swap3A_203 = vector.shape_cast %swap3A_202 : vector<16xi32> to vector<16xi32>
    %swap3A_204 = vector.shape_cast %select_n3A_196 : vector<16xi32> to vector<16xi32>
    tpu.vector_store %arg12[%swap3A_201], %swap3A_204 {strides = array<i32>} : memref<128xi32, #tpu.memory_space<vmem>>, vector<16xi32>,
    %get3A_205 = arith.constant 64 : index
    %get3A_206 = tpu.vector_load %arg6[%get3A_205] {strides = array<i32>} : memref<128xf32, #tpu.memory_space<vmem>>, vector<16xf32>,
    %get3A_207 = vector.shape_cast %get3A_206 : vector<16xf32> to vector<16xf32>
    %get3A_208 = arith.constant 64 : index
    %get3A_209 = tpu.vector_load %arg8[%get3A_208] {strides = array<i32>} : memref<128xf32, #tpu.memory_space<vmem>>, vector<16xf32>,
    %get3A_210 = vector.shape_cast %get3A_209 : vector<16xf32> to vector<16xf32>
    %sub3A_211 = arith.constant 0.000000e+00 : f32
    %sub3A_212 = vector.broadcast %sub3A_211 : f32 to vector<16xf32>
    %sub3A_213 = arith.subf %get3A_207, %sub3A_212 : vector<16xf32>
    %div3A_214 = arith.constant 1.000000e-03 : f32
    %div3A_215 = vector.broadcast %div3A_214 : f32 to vector<16xf32>
    %div3A_216 = arith.divf %sub3A_213, %div3A_215 : vector<16xf32>
    %convert_element_type3A_217 = arith.fptosi %div3A_216 : vector<16xf32> to vector<16xi32>
    %sub3A_218 = arith.constant 0.000000e+00 : f32
    %sub3A_219 = vector.broadcast %sub3A_218 : f32 to vector<16xf32>
    %sub3A_220 = arith.subf %get3A_210, %sub3A_219 : vector<16xf32>
    %div3A_221 = arith.constant 1.000000e-03 : f32
    %div3A_222 = vector.broadcast %div3A_221 : f32 to vector<16xf32>
    %div3A_223 = arith.divf %sub3A_220, %div3A_222 : vector<16xf32>
    %convert_element_type3A_224 = arith.fptosi %div3A_223 : vector<16xf32> to vector<16xi32>
    %gt3A_225 = arith.constant 1000 : i32
    %gt3A_226 = vector.broadcast %gt3A_225 : i32 to vector<16xi32>
    %gt3A_227 = arith.cmpi sgt, %convert_element_type3A_217, %gt3A_226 : vector<16xi32>
    %lt3A_228 = arith.constant 0 : i32
    %lt3A_229 = vector.broadcast %lt3A_228 : i32 to vector<16xi32>
    %lt3A_230 = arith.cmpi slt, %convert_element_type3A_217, %lt3A_229 : vector<16xi32>
    %or3A_231 = arith.ori %gt3A_227, %lt3A_230 : vector<16xi1>
    %jit3A_232 = arith.constant 1000 : i32
    %broadcast_in_dim3A_233 = vector.broadcast %jit3A_232 : i32 to vector<16xi32>
    %select_n3A_234 = arith.select %or3A_231, %broadcast_in_dim3A_233, %convert_element_type3A_217 : vector<16xi1>, vector<16xi32>
    %gt3A_235 = arith.constant 1000 : i32
    %gt3A_236 = vector.broadcast %gt3A_235 : i32 to vector<16xi32>
    %gt3A_237 = arith.cmpi sgt, %convert_element_type3A_224, %gt3A_236 : vector<16xi32>
    %lt3A_238 = arith.constant 0 : i32
    %lt3A_239 = vector.broadcast %lt3A_238 : i32 to vector<16xi32>
    %lt3A_240 = arith.cmpi slt, %convert_element_type3A_224, %lt3A_239 : vector<16xi32>
    %or3A_241 = arith.ori %gt3A_237, %lt3A_240 : vector<16xi1>
    %jit3A_242 = arith.constant 1000 : i32
    %broadcast_in_dim3A_243 = vector.broadcast %jit3A_242 : i32 to vector<16xi32>
    %select_n3A_244 = arith.select %or3A_241, %broadcast_in_dim3A_243, %convert_element_type3A_224 : vector<16xi1>, vector<16xi32>
    %swap3A_245 = arith.constant 64 : index
    %swap3A_246 = tpu.vector_load %arg10[%swap3A_245] {strides = array<i32>} : memref<128xi32, #tpu.memory_space<vmem>>, vector<16xi32>,
    %swap3A_247 = vector.shape_cast %swap3A_246 : vector<16xi32> to vector<16xi32>
    %swap3A_248 = vector.shape_cast %select_n3A_234 : vector<16xi32> to vector<16xi32>
    tpu.vector_store %arg10[%swap3A_245], %swap3A_248 {strides = array<i32>} : memref<128xi32, #tpu.memory_space<vmem>>, vector<16xi32>,
    %swap3A_249 = arith.constant 64 : index
    %swap3A_250 = tpu.vector_load %arg12[%swap3A_249] {strides = array<i32>} : memref<128xi32, #tpu.memory_space<vmem>>, vector<16xi32>,
    %swap3A_251 = vector.shape_cast %swap3A_250 : vector<16xi32> to vector<16xi32>
    %swap3A_252 = vector.shape_cast %select_n3A_244 : vector<16xi32> to vector<16xi32>
    tpu.vector_store %arg12[%swap3A_249], %swap3A_252 {strides = array<i32>} : memref<128xi32, #tpu.memory_space<vmem>>, vector<16xi32>,
    %get3A_253 = arith.constant 80 : index
    %get3A_254 = tpu.vector_load %arg6[%get3A_253] {strides = array<i32>} : memref<128xf32, #tpu.memory_space<vmem>>, vector<16xf32>,
    %get3A_255 = vector.shape_cast %get3A_254 : vector<16xf32> to vector<16xf32>
    %get3A_256 = arith.constant 80 : index
    %get3A_257 = tpu.vector_load %arg8[%get3A_256] {strides = array<i32>} : memref<128xf32, #tpu.memory_space<vmem>>, vector<16xf32>,
    %get3A_258 = vector.shape_cast %get3A_257 : vector<16xf32> to vector<16xf32>
    %sub3A_259 = arith.constant 0.000000e+00 : f32
    %sub3A_260 = vector.broadcast %sub3A_259 : f32 to vector<16xf32>
    %sub3A_261 = arith.subf %get3A_255, %sub3A_260 : vector<16xf32>
    %div3A_262 = arith.constant 1.000000e-03 : f32
    %div3A_263 = vector.broadcast %div3A_262 : f32 to vector<16xf32>
    %div3A_264 = arith.divf %sub3A_261, %div3A_263 : vector<16xf32>
    %convert_element_type3A_265 = arith.fptosi %div3A_264 : vector<16xf32> to vector<16xi32>
    %sub3A_266 = arith.constant 0.000000e+00 : f32
    %sub3A_267 = vector.broadcast %sub3A_266 : f32 to vector<16xf32>
    %sub3A_268 = arith.subf %get3A_258, %sub3A_267 : vector<16xf32>
    %div3A_269 = arith.constant 1.000000e-03 : f32
    %div3A_270 = vector.broadcast %div3A_269 : f32 to vector<16xf32>
    %div3A_271 = arith.divf %sub3A_268, %div3A_270 : vector<16xf32>
    %convert_element_type3A_272 = arith.fptosi %div3A_271 : vector<16xf32> to vector<16xi32>
    %gt3A_273 = arith.constant 1000 : i32
    %gt3A_274 = vector.broadcast %gt3A_273 : i32 to vector<16xi32>
    %gt3A_275 = arith.cmpi sgt, %convert_element_type3A_265, %gt3A_274 : vector<16xi32>
    %lt3A_276 = arith.constant 0 : i32
    %lt3A_277 = vector.broadcast %lt3A_276 : i32 to vector<16xi32>
    %lt3A_278 = arith.cmpi slt, %convert_element_type3A_265, %lt3A_277 : vector<16xi32>
    %or3A_279 = arith.ori %gt3A_275, %lt3A_278 : vector<16xi1>
    %jit3A_280 = arith.constant 1000 : i32
    %broadcast_in_dim3A_281 = vector.broadcast %jit3A_280 : i32 to vector<16xi32>
    %select_n3A_282 = arith.select %or3A_279, %broadcast_in_dim3A_281, %convert_element_type3A_265 : vector<16xi1>, vector<16xi32>
    %gt3A_283 = arith.constant 1000 : i32
    %gt3A_284 = vector.broadcast %gt3A_283 : i32 to vector<16xi32>
    %gt3A_285 = arith.cmpi sgt, %convert_element_type3A_272, %gt3A_284 : vector<16xi32>
    %lt3A_286 = arith.constant 0 : i32
    %lt3A_287 = vector.broadcast %lt3A_286 : i32 to vector<16xi32>
    %lt3A_288 = arith.cmpi slt, %convert_element_type3A_272, %lt3A_287 : vector<16xi32>
    %or3A_289 = arith.ori %gt3A_285, %lt3A_288 : vector<16xi1>
    %jit3A_290 = arith.constant 1000 : i32
    %broadcast_in_dim3A_291 = vector.broadcast %jit3A_290 : i32 to vector<16xi32>
    %select_n3A_292 = arith.select %or3A_289, %broadcast_in_dim3A_291, %convert_element_type3A_272 : vector<16xi1>, vector<16xi32>
    %swap3A_293 = arith.constant 80 : index
    %swap3A_294 = tpu.vector_load %arg10[%swap3A_293] {strides = array<i32>} : memref<128xi32, #tpu.memory_space<vmem>>, vector<16xi32>,
    %swap3A_295 = vector.shape_cast %swap3A_294 : vector<16xi32> to vector<16xi32>
    %swap3A_296 = vector.shape_cast %select_n3A_282 : vector<16xi32> to vector<16xi32>
    tpu.vector_store %arg10[%swap3A_293], %swap3A_296 {strides = array<i32>} : memref<128xi32, #tpu.memory_space<vmem>>, vector<16xi32>,
    %swap3A_297 = arith.constant 80 : index
    %swap3A_298 = tpu.vector_load %arg12[%swap3A_297] {strides = array<i32>} : memref<128xi32, #tpu.memory_space<vmem>>, vector<16xi32>,
    %swap3A_299 = vector.shape_cast %swap3A_298 : vector<16xi32> to vector<16xi32>
    %swap3A_300 = vector.shape_cast %select_n3A_292 : vector<16xi32> to vector<16xi32>
    tpu.vector_store %arg12[%swap3A_297], %swap3A_300 {strides = array<i32>} : memref<128xi32, #tpu.memory_space<vmem>>, vector<16xi32>,
    %get3A_301 = arith.constant 96 : index
    %get3A_302 = tpu.vector_load %arg6[%get3A_301] {strides = array<i32>} : memref<128xf32, #tpu.memory_space<vmem>>, vector<16xf32>,
    %get3A_303 = vector.shape_cast %get3A_302 : vector<16xf32> to vector<16xf32>
    %get3A_304 = arith.constant 96 : index
    %get3A_305 = tpu.vector_load %arg8[%get3A_304] {strides = array<i32>} : memref<128xf32, #tpu.memory_space<vmem>>, vector<16xf32>,
    %get3A_306 = vector.shape_cast %get3A_305 : vector<16xf32> to vector<16xf32>
    %sub3A_307 = arith.constant 0.000000e+00 : f32
    %sub3A_308 = vector.broadcast %sub3A_307 : f32 to vector<16xf32>
    %sub3A_309 = arith.subf %get3A_303, %sub3A_308 : vector<16xf32>
    %div3A_310 = arith.constant 1.000000e-03 : f32
    %div3A_311 = vector.broadcast %div3A_310 : f32 to vector<16xf32>
    %div3A_312 = arith.divf %sub3A_309, %div3A_311 : vector<16xf32>
    %convert_element_type3A_313 = arith.fptosi %div3A_312 : vector<16xf32> to vector<16xi32>
    %sub3A_314 = arith.constant 0.000000e+00 : f32
    %sub3A_315 = vector.broadcast %sub3A_314 : f32 to vector<16xf32>
    %sub3A_316 = arith.subf %get3A_306, %sub3A_315 : vector<16xf32>
    %div3A_317 = arith.constant 1.000000e-03 : f32
    %div3A_318 = vector.broadcast %div3A_317 : f32 to vector<16xf32>
    %div3A_319 = arith.divf %sub3A_316, %div3A_318 : vector<16xf32>
    %convert_element_type3A_320 = arith.fptosi %div3A_319 : vector<16xf32> to vector<16xi32>
    %gt3A_321 = arith.constant 1000 : i32
    %gt3A_322 = vector.broadcast %gt3A_321 : i32 to vector<16xi32>
    %gt3A_323 = arith.cmpi sgt, %convert_element_type3A_313, %gt3A_322 : vector<16xi32>
    %lt3A_324 = arith.constant 0 : i32
    %lt3A_325 = vector.broadcast %lt3A_324 : i32 to vector<16xi32>
    %lt3A_326 = arith.cmpi slt, %convert_element_type3A_313, %lt3A_325 : vector<16xi32>
    %or3A_327 = arith.ori %gt3A_323, %lt3A_326 : vector<16xi1>
    %jit3A_328 = arith.constant 1000 : i32
    %broadcast_in_dim3A_329 = vector.broadcast %jit3A_328 : i32 to vector<16xi32>
    %select_n3A_330 = arith.select %or3A_327, %broadcast_in_dim3A_329, %convert_element_type3A_313 : vector<16xi1>, vector<16xi32>
    %gt3A_331 = arith.constant 1000 : i32
    %gt3A_332 = vector.broadcast %gt3A_331 : i32 to vector<16xi32>
    %gt3A_333 = arith.cmpi sgt, %convert_element_type3A_320, %gt3A_332 : vector<16xi32>
    %lt3A_334 = arith.constant 0 : i32
    %lt3A_335 = vector.broadcast %lt3A_334 : i32 to vector<16xi32>
    %lt3A_336 = arith.cmpi slt, %convert_element_type3A_320, %lt3A_335 : vector<16xi32>
    %or3A_337 = arith.ori %gt3A_333, %lt3A_336 : vector<16xi1>
    %jit3A_338 = arith.constant 1000 : i32
    %broadcast_in_dim3A_339 = vector.broadcast %jit3A_338 : i32 to vector<16xi32>
    %select_n3A_340 = arith.select %or3A_337, %broadcast_in_dim3A_339, %convert_element_type3A_320 : vector<16xi1>, vector<16xi32>
    %swap3A_341 = arith.constant 96 : index
    %swap3A_342 = tpu.vector_load %arg10[%swap3A_341] {strides = array<i32>} : memref<128xi32, #tpu.memory_space<vmem>>, vector<16xi32>,
    %swap3A_343 = vector.shape_cast %swap3A_342 : vector<16xi32> to vector<16xi32>
    %swap3A_344 = vector.shape_cast %select_n3A_330 : vector<16xi32> to vector<16xi32>
    tpu.vector_store %arg10[%swap3A_341], %swap3A_344 {strides = array<i32>} : memref<128xi32, #tpu.memory_space<vmem>>, vector<16xi32>,
    %swap3A_345 = arith.constant 96 : index
    %swap3A_346 = tpu.vector_load %arg12[%swap3A_345] {strides = array<i32>} : memref<128xi32, #tpu.memory_space<vmem>>, vector<16xi32>,
    %swap3A_347 = vector.shape_cast %swap3A_346 : vector<16xi32> to vector<16xi32>
    %swap3A_348 = vector.shape_cast %select_n3A_340 : vector<16xi32> to vector<16xi32>
    tpu.vector_store %arg12[%swap3A_345], %swap3A_348 {strides = array<i32>} : memref<128xi32, #tpu.memory_space<vmem>>, vector<16xi32>,
    %get3A_349 = arith.constant 112 : index
    %get3A_350 = tpu.vector_load %arg6[%get3A_349] {strides = array<i32>} : memref<128xf32, #tpu.memory_space<vmem>>, vector<16xf32>,
    %get3A_351 = vector.shape_cast %get3A_350 : vector<16xf32> to vector<16xf32>
    %get3A_352 = arith.constant 112 : index
    %get3A_353 = tpu.vector_load %arg8[%get3A_352] {strides = array<i32>} : memref<128xf32, #tpu.memory_space<vmem>>, vector<16xf32>,
    %get3A_354 = vector.shape_cast %get3A_353 : vector<16xf32> to vector<16xf32>
    %sub3A_355 = arith.constant 0.000000e+00 : f32
    %sub3A_356 = vector.broadcast %sub3A_355 : f32 to vector<16xf32>
    %sub3A_357 = arith.subf %get3A_351, %sub3A_356 : vector<16xf32>
    %div3A_358 = arith.constant 1.000000e-03 : f32
    %div3A_359 = vector.broadcast %div3A_358 : f32 to vector<16xf32>
    %div3A_360 = arith.divf %sub3A_357, %div3A_359 : vector<16xf32>
    %convert_element_type3A_361 = arith.fptosi %div3A_360 : vector<16xf32> to vector<16xi32>
    %sub3A_362 = arith.constant 0.000000e+00 : f32
    %sub3A_363 = vector.broadcast %sub3A_362 : f32 to vector<16xf32>
    %sub3A_364 = arith.subf %get3A_354, %sub3A_363 : vector<16xf32>
    %div3A_365 = arith.constant 1.000000e-03 : f32
    %div3A_366 = vector.broadcast %div3A_365 : f32 to vector<16xf32>
    %div3A_367 = arith.divf %sub3A_364, %div3A_366 : vector<16xf32>
    %convert_element_type3A_368 = arith.fptosi %div3A_367 : vector<16xf32> to vector<16xi32>
    %gt3A_369 = arith.constant 1000 : i32
    %gt3A_370 = vector.broadcast %gt3A_369 : i32 to vector<16xi32>
    %gt3A_371 = arith.cmpi sgt, %convert_element_type3A_361, %gt3A_370 : vector<16xi32>
    %lt3A_372 = arith.constant 0 : i32
    %lt3A_373 = vector.broadcast %lt3A_372 : i32 to vector<16xi32>
    %lt3A_374 = arith.cmpi slt, %convert_element_type3A_361, %lt3A_373 : vector<16xi32>
    %or3A_375 = arith.ori %gt3A_371, %lt3A_374 : vector<16xi1>
    %jit3A_376 = arith.constant 1000 : i32
    %broadcast_in_dim3A_377 = vector.broadcast %jit3A_376 : i32 to vector<16xi32>
    %select_n3A_378 = arith.select %or3A_375, %broadcast_in_dim3A_377, %convert_element_type3A_361 : vector<16xi1>, vector<16xi32>
    %gt3A_379 = arith.constant 1000 : i32
    %gt3A_380 = vector.broadcast %gt3A_379 : i32 to vector<16xi32>
    %gt3A_381 = arith.cmpi sgt, %convert_element_type3A_368, %gt3A_380 : vector<16xi32>
    %lt3A_382 = arith.constant 0 : i32
    %lt3A_383 = vector.broadcast %lt3A_382 : i32 to vector<16xi32>
    %lt3A_384 = arith.cmpi slt, %convert_element_type3A_368, %lt3A_383 : vector<16xi32>
    %or3A_385 = arith.ori %gt3A_381, %lt3A_384 : vector<16xi1>
    %jit3A_386 = arith.constant 1000 : i32
    %broadcast_in_dim3A_387 = vector.broadcast %jit3A_386 : i32 to vector<16xi32>
    %select_n3A_388 = arith.select %or3A_385, %broadcast_in_dim3A_387, %convert_element_type3A_368 : vector<16xi1>, vector<16xi32>
    %swap3A_389 = arith.constant 112 : index
    %swap3A_390 = tpu.vector_load %arg10[%swap3A_389] {strides = array<i32>} : memref<128xi32, #tpu.memory_space<vmem>>, vector<16xi32>,
    %swap3A_391 = vector.shape_cast %swap3A_390 : vector<16xi32> to vector<16xi32>
    %swap3A_392 = vector.shape_cast %select_n3A_378 : vector<16xi32> to vector<16xi32>
    tpu.vector_store %arg10[%swap3A_389], %swap3A_392 {strides = array<i32>} : memref<128xi32, #tpu.memory_space<vmem>>, vector<16xi32>,
    %swap3A_393 = arith.constant 112 : index
    %swap3A_394 = tpu.vector_load %arg12[%swap3A_393] {strides = array<i32>} : memref<128xi32, #tpu.memory_space<vmem>>, vector<16xi32>,
    %swap3A_395 = vector.shape_cast %swap3A_394 : vector<16xi32> to vector<16xi32>
    %swap3A_396 = vector.shape_cast %select_n3A_388 : vector<16xi32> to vector<16xi32>
    tpu.vector_store %arg12[%swap3A_393], %swap3A_396 {strides = array<i32>} : memref<128xi32, #tpu.memory_space<vmem>>, vector<16xi32>,
    %dma_start3A_397 = arith.constant 0 : i32
    %dma_start3A_398 = arith.constant 0 : i32
    %dma_start3A_399 = tpu.memref_slice %arg26[%dma_start3A_397, %dma_start3A_398] : memref<1001x128xf32, #tpu.memory_space<vmem_shared>> -> memref<1001x128xf32, #tpu.memory_space<vmem_shared>>
    tpu.enqueue_indirect_dma source(%dma_start3A_399 : memref<1001x128xf32, #tpu.memory_space<vmem_shared>>) target(%arg14 : memref<128x128xf32, #tpu.memory_space<vmem>>) offsets(%arg10 : memref<128xi32, #tpu.memory_space<vmem>>) semaphore(%arg22 : memref<!tpu.dma_semaphore, #tpu.memory_space<semaphore_mem>>)
    %dma_start3A_400 = arith.constant 0 : i32
    %dma_start3A_401 = arith.constant 0 : i32
    %dma_start3A_402 = tpu.memref_slice %arg26[%dma_start3A_400, %dma_start3A_401] : memref<1001x128xf32, #tpu.memory_space<vmem_shared>> -> memref<1001x128xf32, #tpu.memory_space<vmem_shared>>
    tpu.enqueue_indirect_dma source(%dma_start3A_402 : memref<1001x128xf32, #tpu.memory_space<vmem_shared>>) target(%arg16 : memref<128x128xf32, #tpu.memory_space<vmem>>) offsets(%arg12 : memref<128xi32, #tpu.memory_space<vmem>>) semaphore(%arg22 : memref<!tpu.dma_semaphore, #tpu.memory_space<semaphore_mem>>)
    %add3A_403 = arith.constant 256 : i32
    %add3A_404 = arith.addi %mul3A_2, %add3A_403 : i32
    %dma_start3A_405 = tpu.memref_slice %arg2[%add3A_404] : memref<819200xf32, #tpu.memory_space<hbm>> -> memref<128xf32, #tpu.memory_space<hbm>>
    %dma_start3A_406 = tpu.memref_slice %arg2[%add3A_404] : memref<819200xf32, #tpu.memory_space<hbm>> -> memref<128xf32, #tpu.memory_space<hbm>>
    tpu.enqueue_dma source(%dma_start3A_406 : memref<128xf32, #tpu.memory_space<hbm>>) target(%arg6 : memref<128xf32, #tpu.memory_space<vmem>>) target_semaphore(%arg20 : memref<!tpu.dma_semaphore, #tpu.memory_space<semaphore_mem>>)
    %dma_start3A_407 = tpu.memref_slice %arg3[%add3A_404] : memref<819200xf32, #tpu.memory_space<hbm>> -> memref<128xf32, #tpu.memory_space<hbm>>
    %dma_start3A_408 = tpu.memref_slice %arg3[%add3A_404] : memref<819200xf32, #tpu.memory_space<hbm>> -> memref<128xf32, #tpu.memory_space<hbm>>
    tpu.enqueue_dma source(%dma_start3A_408 : memref<128xf32, #tpu.memory_space<hbm>>) target(%arg8 : memref<128xf32, #tpu.memory_space<vmem>>) target_semaphore(%arg20 : memref<!tpu.dma_semaphore, #tpu.memory_space<semaphore_mem>>)
    %scan3A = arith.constant 0 : i32
    %scan3A_409 = arith.constant 0 : i32
    %scan3A_410 = arith.constant 100 : i32
    %scan3A_411 = arith.addi %scan3A_409, %scan3A_410 : i32
    %scan3A_412 = arith.constant 1 : i32
    scf.for %scan3A_426 = %scan3A_409 to %scan3A_411 step %scan3A_412  : i32 {
      %mul3A_427 = arith.constant 2 : i32
      %mul3A_428 = arith.muli %mul3A_427, %scan3A_426 : i32
      %dma_wait3A_429 = arith.constant 0 : i32
      %dma_wait3A_430 = tpu.memref_slice %arg2[%dma_wait3A_429] : memref<819200xf32, #tpu.memory_space<hbm>> -> memref<128xf32, #tpu.memory_space<hbm>>
      %dma_wait3A_431 = arith.constant 0 : i32
      %dma_wait3A_432 = tpu.memref_slice %arg2[%dma_wait3A_431] : memref<819200xf32, #tpu.memory_space<hbm>> -> memref<128xf32, #tpu.memory_space<hbm>>
      tpu.wait_dma2 semaphore(%arg21 : memref<!tpu.dma_semaphore, #tpu.memory_space<semaphore_mem>>) src(%dma_wait3A_432 : memref<128xf32, #tpu.memory_space<hbm>>) dst(%arg7 : memref<128xf32, #tpu.memory_space<vmem>>)
      %dma_wait3A_433 = arith.constant 0 : i32
      %dma_wait3A_434 = tpu.memref_slice %arg3[%dma_wait3A_433] : memref<819200xf32, #tpu.memory_space<hbm>> -> memref<128xf32, #tpu.memory_space<hbm>>
      %dma_wait3A_435 = arith.constant 0 : i32
      %dma_wait3A_436 = tpu.memref_slice %arg3[%dma_wait3A_435] : memref<819200xf32, #tpu.memory_space<hbm>> -> memref<128xf32, #tpu.memory_space<hbm>>
      tpu.wait_dma2 semaphore(%arg21 : memref<!tpu.dma_semaphore, #tpu.memory_space<semaphore_mem>>) src(%dma_wait3A_436 : memref<128xf32, #tpu.memory_space<hbm>>) dst(%arg9 : memref<128xf32, #tpu.memory_space<vmem>>)
      %add3A_437 = arith.constant 1 : i32
      %add3A_438 = arith.addi %mul3A_428, %add3A_437 : i32
      %get3A_439 = arith.constant 0 : index
      %get3A_440 = tpu.vector_load %arg7[%get3A_439] {strides = array<i32>} : memref<128xf32, #tpu.memory_space<vmem>>, vector<16xf32>,
      %get3A_441 = vector.shape_cast %get3A_440 : vector<16xf32> to vector<16xf32>
      %get3A_442 = arith.constant 0 : index
      %get3A_443 = tpu.vector_load %arg9[%get3A_442] {strides = array<i32>} : memref<128xf32, #tpu.memory_space<vmem>>, vector<16xf32>,
      %get3A_444 = vector.shape_cast %get3A_443 : vector<16xf32> to vector<16xf32>
      %sub3A_445 = arith.constant 0.000000e+00 : f32
      %sub3A_446 = vector.broadcast %sub3A_445 : f32 to vector<16xf32>
      %sub3A_447 = arith.subf %get3A_441, %sub3A_446 : vector<16xf32>
      %div3A_448 = arith.constant 1.000000e-03 : f32
      %div3A_449 = vector.broadcast %div3A_448 : f32 to vector<16xf32>
      %div3A_450 = arith.divf %sub3A_447, %div3A_449 : vector<16xf32>
      %convert_element_type3A_451 = arith.fptosi %div3A_450 : vector<16xf32> to vector<16xi32>
      %sub3A_452 = arith.constant 0.000000e+00 : f32
      %sub3A_453 = vector.broadcast %sub3A_452 : f32 to vector<16xf32>
      %sub3A_454 = arith.subf %get3A_444, %sub3A_453 : vector<16xf32>
      %div3A_455 = arith.constant 1.000000e-03 : f32
      %div3A_456 = vector.broadcast %div3A_455 : f32 to vector<16xf32>
      %div3A_457 = arith.divf %sub3A_454, %div3A_456 : vector<16xf32>
      %convert_element_type3A_458 = arith.fptosi %div3A_457 : vector<16xf32> to vector<16xi32>
      %gt3A_459 = arith.constant 1000 : i32
      %gt3A_460 = vector.broadcast %gt3A_459 : i32 to vector<16xi32>
      %gt3A_461 = arith.cmpi sgt, %convert_element_type3A_451, %gt3A_460 : vector<16xi32>
      %lt3A_462 = arith.constant 0 : i32
      %lt3A_463 = vector.broadcast %lt3A_462 : i32 to vector<16xi32>
      %lt3A_464 = arith.cmpi slt, %convert_element_type3A_451, %lt3A_463 : vector<16xi32>
      %or3A_465 = arith.ori %gt3A_461, %lt3A_464 : vector<16xi1>
      %jit3A_466 = arith.constant 1000 : i32
      %broadcast_in_dim3A_467 = vector.broadcast %jit3A_466 : i32 to vector<16xi32>
      %select_n3A_468 = arith.select %or3A_465, %broadcast_in_dim3A_467, %convert_element_type3A_451 : vector<16xi1>, vector<16xi32>
      %gt3A_469 = arith.constant 1000 : i32
      %gt3A_470 = vector.broadcast %gt3A_469 : i32 to vector<16xi32>
      %gt3A_471 = arith.cmpi sgt, %convert_element_type3A_458, %gt3A_470 : vector<16xi32>
      %lt3A_472 = arith.constant 0 : i32
      %lt3A_473 = vector.broadcast %lt3A_472 : i32 to vector<16xi32>
      %lt3A_474 = arith.cmpi slt, %convert_element_type3A_458, %lt3A_473 : vector<16xi32>
      %or3A_475 = arith.ori %gt3A_471, %lt3A_474 : vector<16xi1>
      %jit3A_476 = arith.constant 1000 : i32
      %broadcast_in_dim3A_477 = vector.broadcast %jit3A_476 : i32 to vector<16xi32>
      %select_n3A_478 = arith.select %or3A_475, %broadcast_in_dim3A_477, %convert_element_type3A_458 : vector<16xi1>, vector<16xi32>
      %swap3A_479 = arith.constant 0 : index
      %swap3A_480 = tpu.vector_load %arg11[%swap3A_479] {strides = array<i32>} : memref<128xi32, #tpu.memory_space<vmem>>, vector<16xi32>,
      %swap3A_481 = vector.shape_cast %swap3A_480 : vector<16xi32> to vector<16xi32>
      %swap3A_482 = vector.shape_cast %select_n3A_468 : vector<16xi32> to vector<16xi32>
      tpu.vector_store %arg11[%swap3A_479], %swap3A_482 {strides = array<i32>} : memref<128xi32, #tpu.memory_space<vmem>>, vector<16xi32>,
      %swap3A_483 = arith.constant 0 : index
      %swap3A_484 = tpu.vector_load %arg13[%swap3A_483] {strides = array<i32>} : memref<128xi32, #tpu.memory_space<vmem>>, vector<16xi32>,
      %swap3A_485 = vector.shape_cast %swap3A_484 : vector<16xi32> to vector<16xi32>
      %swap3A_486 = vector.shape_cast %select_n3A_478 : vector<16xi32> to vector<16xi32>
      tpu.vector_store %arg13[%swap3A_483], %swap3A_486 {strides = array<i32>} : memref<128xi32, #tpu.memory_space<vmem>>, vector<16xi32>,
      %get3A_487 = arith.constant 16 : index
      %get3A_488 = tpu.vector_load %arg7[%get3A_487] {strides = array<i32>} : memref<128xf32, #tpu.memory_space<vmem>>, vector<16xf32>,
      %get3A_489 = vector.shape_cast %get3A_488 : vector<16xf32> to vector<16xf32>
      %get3A_490 = arith.constant 16 : index
      %get3A_491 = tpu.vector_load %arg9[%get3A_490] {strides = array<i32>} : memref<128xf32, #tpu.memory_space<vmem>>, vector<16xf32>,
      %get3A_492 = vector.shape_cast %get3A_491 : vector<16xf32> to vector<16xf32>
      %sub3A_493 = arith.constant 0.000000e+00 : f32
      %sub3A_494 = vector.broadcast %sub3A_493 : f32 to vector<16xf32>
      %sub3A_495 = arith.subf %get3A_489, %sub3A_494 : vector<16xf32>
      %div3A_496 = arith.constant 1.000000e-03 : f32
      %div3A_497 = vector.broadcast %div3A_496 : f32 to vector<16xf32>
      %div3A_498 = arith.divf %sub3A_495, %div3A_497 : vector<16xf32>
      %convert_element_type3A_499 = arith.fptosi %div3A_498 : vector<16xf32> to vector<16xi32>
      %sub3A_500 = arith.constant 0.000000e+00 : f32
      %sub3A_501 = vector.broadcast %sub3A_500 : f32 to vector<16xf32>
      %sub3A_502 = arith.subf %get3A_492, %sub3A_501 : vector<16xf32>
      %div3A_503 = arith.constant 1.000000e-03 : f32
      %div3A_504 = vector.broadcast %div3A_503 : f32 to vector<16xf32>
      %div3A_505 = arith.divf %sub3A_502, %div3A_504 : vector<16xf32>
      %convert_element_type3A_506 = arith.fptosi %div3A_505 : vector<16xf32> to vector<16xi32>
      %gt3A_507 = arith.constant 1000 : i32
      %gt3A_508 = vector.broadcast %gt3A_507 : i32 to vector<16xi32>
      %gt3A_509 = arith.cmpi sgt, %convert_element_type3A_499, %gt3A_508 : vector<16xi32>
      %lt3A_510 = arith.constant 0 : i32
      %lt3A_511 = vector.broadcast %lt3A_510 : i32 to vector<16xi32>
      %lt3A_512 = arith.cmpi slt, %convert_element_type3A_499, %lt3A_511 : vector<16xi32>
      %or3A_513 = arith.ori %gt3A_509, %lt3A_512 : vector<16xi1>
      %jit3A_514 = arith.constant 1000 : i32
      %broadcast_in_dim3A_515 = vector.broadcast %jit3A_514 : i32 to vector<16xi32>
      %select_n3A_516 = arith.select %or3A_513, %broadcast_in_dim3A_515, %convert_element_type3A_499 : vector<16xi1>, vector<16xi32>
      %gt3A_517 = arith.constant 1000 : i32
      %gt3A_518 = vector.broadcast %gt3A_517 : i32 to vector<16xi32>
      %gt3A_519 = arith.cmpi sgt, %convert_element_type3A_506, %gt3A_518 : vector<16xi32>
      %lt3A_520 = arith.constant 0 : i32
      %lt3A_521 = vector.broadcast %lt3A_520 : i32 to vector<16xi32>
      %lt3A_522 = arith.cmpi slt, %convert_element_type3A_506, %lt3A_521 : vector<16xi32>
      %or3A_523 = arith.ori %gt3A_519, %lt3A_522 : vector<16xi1>
      %jit3A_524 = arith.constant 1000 : i32
      %broadcast_in_dim3A_525 = vector.broadcast %jit3A_524 : i32 to vector<16xi32>
      %select_n3A_526 = arith.select %or3A_523, %broadcast_in_dim3A_525, %convert_element_type3A_506 : vector<16xi1>, vector<16xi32>
      %swap3A_527 = arith.constant 16 : index
      %swap3A_528 = tpu.vector_load %arg11[%swap3A_527] {strides = array<i32>} : memref<128xi32, #tpu.memory_space<vmem>>, vector<16xi32>,
      %swap3A_529 = vector.shape_cast %swap3A_528 : vector<16xi32> to vector<16xi32>
      %swap3A_530 = vector.shape_cast %select_n3A_516 : vector<16xi32> to vector<16xi32>
      tpu.vector_store %arg11[%swap3A_527], %swap3A_530 {strides = array<i32>} : memref<128xi32, #tpu.memory_space<vmem>>, vector<16xi32>,
      %swap3A_531 = arith.constant 16 : index
      %swap3A_532 = tpu.vector_load %arg13[%swap3A_531] {strides = array<i32>} : memref<128xi32, #tpu.memory_space<vmem>>, vector<16xi32>,
      %swap3A_533 = vector.shape_cast %swap3A_532 : vector<16xi32> to vector<16xi32>
      %swap3A_534 = vector.shape_cast %select_n3A_526 : vector<16xi32> to vector<16xi32>
      tpu.vector_store %arg13[%swap3A_531], %swap3A_534 {strides = array<i32>} : memref<128xi32, #tpu.memory_space<vmem>>, vector<16xi32>,
      %get3A_535 = arith.constant 32 : index
      %get3A_536 = tpu.vector_load %arg7[%get3A_535] {strides = array<i32>} : memref<128xf32, #tpu.memory_space<vmem>>, vector<16xf32>,
      %get3A_537 = vector.shape_cast %get3A_536 : vector<16xf32> to vector<16xf32>
      %get3A_538 = arith.constant 32 : index
      %get3A_539 = tpu.vector_load %arg9[%get3A_538] {strides = array<i32>} : memref<128xf32, #tpu.memory_space<vmem>>, vector<16xf32>,
      %get3A_540 = vector.shape_cast %get3A_539 : vector<16xf32> to vector<16xf32>
      %sub3A_541 = arith.constant 0.000000e+00 : f32
      %sub3A_542 = vector.broadcast %sub3A_541 : f32 to vector<16xf32>
      %sub3A_543 = arith.subf %get3A_537, %sub3A_542 : vector<16xf32>
      %div3A_544 = arith.constant 1.000000e-03 : f32
      %div3A_545 = vector.broadcast %div3A_544 : f32 to vector<16xf32>
      %div3A_546 = arith.divf %sub3A_543, %div3A_545 : vector<16xf32>
      %convert_element_type3A_547 = arith.fptosi %div3A_546 : vector<16xf32> to vector<16xi32>
      %sub3A_548 = arith.constant 0.000000e+00 : f32
      %sub3A_549 = vector.broadcast %sub3A_548 : f32 to vector<16xf32>
      %sub3A_550 = arith.subf %get3A_540, %sub3A_549 : vector<16xf32>
      %div3A_551 = arith.constant 1.000000e-03 : f32
      %div3A_552 = vector.broadcast %div3A_551 : f32 to vector<16xf32>
      %div3A_553 = arith.divf %sub3A_550, %div3A_552 : vector<16xf32>
      %convert_element_type3A_554 = arith.fptosi %div3A_553 : vector<16xf32> to vector<16xi32>
      %gt3A_555 = arith.constant 1000 : i32
      %gt3A_556 = vector.broadcast %gt3A_555 : i32 to vector<16xi32>
      %gt3A_557 = arith.cmpi sgt, %convert_element_type3A_547, %gt3A_556 : vector<16xi32>
      %lt3A_558 = arith.constant 0 : i32
      %lt3A_559 = vector.broadcast %lt3A_558 : i32 to vector<16xi32>
      %lt3A_560 = arith.cmpi slt, %convert_element_type3A_547, %lt3A_559 : vector<16xi32>
      %or3A_561 = arith.ori %gt3A_557, %lt3A_560 : vector<16xi1>
      %jit3A_562 = arith.constant 1000 : i32
      %broadcast_in_dim3A_563 = vector.broadcast %jit3A_562 : i32 to vector<16xi32>
      %select_n3A_564 = arith.select %or3A_561, %broadcast_in_dim3A_563, %convert_element_type3A_547 : vector<16xi1>, vector<16xi32>
      %gt3A_565 = arith.constant 1000 : i32
      %gt3A_566 = vector.broadcast %gt3A_565 : i32 to vector<16xi32>
      %gt3A_567 = arith.cmpi sgt, %convert_element_type3A_554, %gt3A_566 : vector<16xi32>
      %lt3A_568 = arith.constant 0 : i32
      %lt3A_569 = vector.broadcast %lt3A_568 : i32 to vector<16xi32>
      %lt3A_570 = arith.cmpi slt, %convert_element_type3A_554, %lt3A_569 : vector<16xi32>
      %or3A_571 = arith.ori %gt3A_567, %lt3A_570 : vector<16xi1>
      %jit3A_572 = arith.constant 1000 : i32
      %broadcast_in_dim3A_573 = vector.broadcast %jit3A_572 : i32 to vector<16xi32>
      %select_n3A_574 = arith.select %or3A_571, %broadcast_in_dim3A_573, %convert_element_type3A_554 : vector<16xi1>, vector<16xi32>
      %swap3A_575 = arith.constant 32 : index
      %swap3A_576 = tpu.vector_load %arg11[%swap3A_575] {strides = array<i32>} : memref<128xi32, #tpu.memory_space<vmem>>, vector<16xi32>,
      %swap3A_577 = vector.shape_cast %swap3A_576 : vector<16xi32> to vector<16xi32>
      %swap3A_578 = vector.shape_cast %select_n3A_564 : vector<16xi32> to vector<16xi32>
      tpu.vector_store %arg11[%swap3A_575], %swap3A_578 {strides = array<i32>} : memref<128xi32, #tpu.memory_space<vmem>>, vector<16xi32>,
      %swap3A_579 = arith.constant 32 : index
      %swap3A_580 = tpu.vector_load %arg13[%swap3A_579] {strides = array<i32>} : memref<128xi32, #tpu.memory_space<vmem>>, vector<16xi32>,
      %swap3A_581 = vector.shape_cast %swap3A_580 : vector<16xi32> to vector<16xi32>
      %swap3A_582 = vector.shape_cast %select_n3A_574 : vector<16xi32> to vector<16xi32>
      tpu.vector_store %arg13[%swap3A_579], %swap3A_582 {strides = array<i32>} : memref<128xi32, #tpu.memory_space<vmem>>, vector<16xi32>,
      %get3A_583 = arith.constant 48 : index
      %get3A_584 = tpu.vector_load %arg7[%get3A_583] {strides = array<i32>} : memref<128xf32, #tpu.memory_space<vmem>>, vector<16xf32>,
      %get3A_585 = vector.shape_cast %get3A_584 : vector<16xf32> to vector<16xf32>
      %get3A_586 = arith.constant 48 : index
      %get3A_587 = tpu.vector_load %arg9[%get3A_586] {strides = array<i32>} : memref<128xf32, #tpu.memory_space<vmem>>, vector<16xf32>,
      %get3A_588 = vector.shape_cast %get3A_587 : vector<16xf32> to vector<16xf32>
      %sub3A_589 = arith.constant 0.000000e+00 : f32
      %sub3A_590 = vector.broadcast %sub3A_589 : f32 to vector<16xf32>
      %sub3A_591 = arith.subf %get3A_585, %sub3A_590 : vector<16xf32>
      %div3A_592 = arith.constant 1.000000e-03 : f32
      %div3A_593 = vector.broadcast %div3A_592 : f32 to vector<16xf32>
      %div3A_594 = arith.divf %sub3A_591, %div3A_593 : vector<16xf32>
      %convert_element_type3A_595 = arith.fptosi %div3A_594 : vector<16xf32> to vector<16xi32>
      %sub3A_596 = arith.constant 0.000000e+00 : f32
      %sub3A_597 = vector.broadcast %sub3A_596 : f32 to vector<16xf32>
      %sub3A_598 = arith.subf %get3A_588, %sub3A_597 : vector<16xf32>
      %div3A_599 = arith.constant 1.000000e-03 : f32
      %div3A_600 = vector.broadcast %div3A_599 : f32 to vector<16xf32>
      %div3A_601 = arith.divf %sub3A_598, %div3A_600 : vector<16xf32>
      %convert_element_type3A_602 = arith.fptosi %div3A_601 : vector<16xf32> to vector<16xi32>
      %gt3A_603 = arith.constant 1000 : i32
      %gt3A_604 = vector.broadcast %gt3A_603 : i32 to vector<16xi32>
      %gt3A_605 = arith.cmpi sgt, %convert_element_type3A_595, %gt3A_604 : vector<16xi32>
      %lt3A_606 = arith.constant 0 : i32
      %lt3A_607 = vector.broadcast %lt3A_606 : i32 to vector<16xi32>
      %lt3A_608 = arith.cmpi slt, %convert_element_type3A_595, %lt3A_607 : vector<16xi32>
      %or3A_609 = arith.ori %gt3A_605, %lt3A_608 : vector<16xi1>
      %jit3A_610 = arith.constant 1000 : i32
      %broadcast_in_dim3A_611 = vector.broadcast %jit3A_610 : i32 to vector<16xi32>
      %select_n3A_612 = arith.select %or3A_609, %broadcast_in_dim3A_611, %convert_element_type3A_595 : vector<16xi1>, vector<16xi32>
      %gt3A_613 = arith.constant 1000 : i32
      %gt3A_614 = vector.broadcast %gt3A_613 : i32 to vector<16xi32>
      %gt3A_615 = arith.cmpi sgt, %convert_element_type3A_602, %gt3A_614 : vector<16xi32>
      %lt3A_616 = arith.constant 0 : i32
      %lt3A_617 = vector.broadcast %lt3A_616 : i32 to vector<16xi32>
      %lt3A_618 = arith.cmpi slt, %convert_element_type3A_602, %lt3A_617 : vector<16xi32>
      %or3A_619 = arith.ori %gt3A_615, %lt3A_618 : vector<16xi1>
      %jit3A_620 = arith.constant 1000 : i32
      %broadcast_in_dim3A_621 = vector.broadcast %jit3A_620 : i32 to vector<16xi32>
      %select_n3A_622 = arith.select %or3A_619, %broadcast_in_dim3A_621, %convert_element_type3A_602 : vector<16xi1>, vector<16xi32>
      %swap3A_623 = arith.constant 48 : index
      %swap3A_624 = tpu.vector_load %arg11[%swap3A_623] {strides = array<i32>} : memref<128xi32, #tpu.memory_space<vmem>>, vector<16xi32>,
      %swap3A_625 = vector.shape_cast %swap3A_624 : vector<16xi32> to vector<16xi32>
      %swap3A_626 = vector.shape_cast %select_n3A_612 : vector<16xi32> to vector<16xi32>
      tpu.vector_store %arg11[%swap3A_623], %swap3A_626 {strides = array<i32>} : memref<128xi32, #tpu.memory_space<vmem>>, vector<16xi32>,
      %swap3A_627 = arith.constant 48 : index
      %swap3A_628 = tpu.vector_load %arg13[%swap3A_627] {strides = array<i32>} : memref<128xi32, #tpu.memory_space<vmem>>, vector<16xi32>,
      %swap3A_629 = vector.shape_cast %swap3A_628 : vector<16xi32> to vector<16xi32>
      %swap3A_630 = vector.shape_cast %select_n3A_622 : vector<16xi32> to vector<16xi32>
      tpu.vector_store %arg13[%swap3A_627], %swap3A_630 {strides = array<i32>} : memref<128xi32, #tpu.memory_space<vmem>>, vector<16xi32>,
      %get3A_631 = arith.constant 64 : index
      %get3A_632 = tpu.vector_load %arg7[%get3A_631] {strides = array<i32>} : memref<128xf32, #tpu.memory_space<vmem>>, vector<16xf32>,
      %get3A_633 = vector.shape_cast %get3A_632 : vector<16xf32> to vector<16xf32>
      %get3A_634 = arith.constant 64 : index
      %get3A_635 = tpu.vector_load %arg9[%get3A_634] {strides = array<i32>} : memref<128xf32, #tpu.memory_space<vmem>>, vector<16xf32>,
      %get3A_636 = vector.shape_cast %get3A_635 : vector<16xf32> to vector<16xf32>
      %sub3A_637 = arith.constant 0.000000e+00 : f32
      %sub3A_638 = vector.broadcast %sub3A_637 : f32 to vector<16xf32>
      %sub3A_639 = arith.subf %get3A_633, %sub3A_638 : vector<16xf32>
      %div3A_640 = arith.constant 1.000000e-03 : f32
      %div3A_641 = vector.broadcast %div3A_640 : f32 to vector<16xf32>
      %div3A_642 = arith.divf %sub3A_639, %div3A_641 : vector<16xf32>
      %convert_element_type3A_643 = arith.fptosi %div3A_642 : vector<16xf32> to vector<16xi32>
      %sub3A_644 = arith.constant 0.000000e+00 : f32
      %sub3A_645 = vector.broadcast %sub3A_644 : f32 to vector<16xf32>
      %sub3A_646 = arith.subf %get3A_636, %sub3A_645 : vector<16xf32>
      %div3A_647 = arith.constant 1.000000e-03 : f32
      %div3A_648 = vector.broadcast %div3A_647 : f32 to vector<16xf32>
      %div3A_649 = arith.divf %sub3A_646, %div3A_648 : vector<16xf32>
      %convert_element_type3A_650 = arith.fptosi %div3A_649 : vector<16xf32> to vector<16xi32>
      %gt3A_651 = arith.constant 1000 : i32
      %gt3A_652 = vector.broadcast %gt3A_651 : i32 to vector<16xi32>
      %gt3A_653 = arith.cmpi sgt, %convert_element_type3A_643, %gt3A_652 : vector<16xi32>
      %lt3A_654 = arith.constant 0 : i32
      %lt3A_655 = vector.broadcast %lt3A_654 : i32 to vector<16xi32>
      %lt3A_656 = arith.cmpi slt, %convert_element_type3A_643, %lt3A_655 : vector<16xi32>
      %or3A_657 = arith.ori %gt3A_653, %lt3A_656 : vector<16xi1>
      %jit3A_658 = arith.constant 1000 : i32
      %broadcast_in_dim3A_659 = vector.broadcast %jit3A_658 : i32 to vector<16xi32>
      %select_n3A_660 = arith.select %or3A_657, %broadcast_in_dim3A_659, %convert_element_type3A_643 : vector<16xi1>, vector<16xi32>
      %gt3A_661 = arith.constant 1000 : i32
      %gt3A_662 = vector.broadcast %gt3A_661 : i32 to vector<16xi32>
      %gt3A_663 = arith.cmpi sgt, %convert_element_type3A_650, %gt3A_662 : vector<16xi32>
      %lt3A_664 = arith.constant 0 : i32
      %lt3A_665 = vector.broadcast %lt3A_664 : i32 to vector<16xi32>
      %lt3A_666 = arith.cmpi slt, %convert_element_type3A_650, %lt3A_665 : vector<16xi32>
      %or3A_667 = arith.ori %gt3A_663, %lt3A_666 : vector<16xi1>
      %jit3A_668 = arith.constant 1000 : i32
      %broadcast_in_dim3A_669 = vector.broadcast %jit3A_668 : i32 to vector<16xi32>
      %select_n3A_670 = arith.select %or3A_667, %broadcast_in_dim3A_669, %convert_element_type3A_650 : vector<16xi1>, vector<16xi32>
      %swap3A_671 = arith.constant 64 : index
      %swap3A_672 = tpu.vector_load %arg11[%swap3A_671] {strides = array<i32>} : memref<128xi32, #tpu.memory_space<vmem>>, vector<16xi32>,
      %swap3A_673 = vector.shape_cast %swap3A_672 : vector<16xi32> to vector<16xi32>
      %swap3A_674 = vector.shape_cast %select_n3A_660 : vector<16xi32> to vector<16xi32>
      tpu.vector_store %arg11[%swap3A_671], %swap3A_674 {strides = array<i32>} : memref<128xi32, #tpu.memory_space<vmem>>, vector<16xi32>,
      %swap3A_675 = arith.constant 64 : index
      %swap3A_676 = tpu.vector_load %arg13[%swap3A_675] {strides = array<i32>} : memref<128xi32, #tpu.memory_space<vmem>>, vector<16xi32>,
      %swap3A_677 = vector.shape_cast %swap3A_676 : vector<16xi32> to vector<16xi32>
      %swap3A_678 = vector.shape_cast %select_n3A_670 : vector<16xi32> to vector<16xi32>
      tpu.vector_store %arg13[%swap3A_675], %swap3A_678 {strides = array<i32>} : memref<128xi32, #tpu.memory_space<vmem>>, vector<16xi32>,
      %get3A_679 = arith.constant 80 : index
      %get3A_680 = tpu.vector_load %arg7[%get3A_679] {strides = array<i32>} : memref<128xf32, #tpu.memory_space<vmem>>, vector<16xf32>,
      %get3A_681 = vector.shape_cast %get3A_680 : vector<16xf32> to vector<16xf32>
      %get3A_682 = arith.constant 80 : index
      %get3A_683 = tpu.vector_load %arg9[%get3A_682] {strides = array<i32>} : memref<128xf32, #tpu.memory_space<vmem>>, vector<16xf32>,
      %get3A_684 = vector.shape_cast %get3A_683 : vector<16xf32> to vector<16xf32>
      %sub3A_685 = arith.constant 0.000000e+00 : f32
      %sub3A_686 = vector.broadcast %sub3A_685 : f32 to vector<16xf32>
      %sub3A_687 = arith.subf %get3A_681, %sub3A_686 : vector<16xf32>
      %div3A_688 = arith.constant 1.000000e-03 : f32
      %div3A_689 = vector.broadcast %div3A_688 : f32 to vector<16xf32>
      %div3A_690 = arith.divf %sub3A_687, %div3A_689 : vector<16xf32>
      %convert_element_type3A_691 = arith.fptosi %div3A_690 : vector<16xf32> to vector<16xi32>
      %sub3A_692 = arith.constant 0.000000e+00 : f32
      %sub3A_693 = vector.broadcast %sub3A_692 : f32 to vector<16xf32>
      %sub3A_694 = arith.subf %get3A_684, %sub3A_693 : vector<16xf32>
      %div3A_695 = arith.constant 1.000000e-03 : f32
      %div3A_696 = vector.broadcast %div3A_695 : f32 to vector<16xf32>
      %div3A_697 = arith.divf %sub3A_694, %div3A_696 : vector<16xf32>
      %convert_element_type3A_698 = arith.fptosi %div3A_697 : vector<16xf32> to vector<16xi32>
      %gt3A_699 = arith.constant 1000 : i32
      %gt3A_700 = vector.broadcast %gt3A_699 : i32 to vector<16xi32>
      %gt3A_701 = arith.cmpi sgt, %convert_element_type3A_691, %gt3A_700 : vector<16xi32>
      %lt3A_702 = arith.constant 0 : i32
      %lt3A_703 = vector.broadcast %lt3A_702 : i32 to vector<16xi32>
      %lt3A_704 = arith.cmpi slt, %convert_element_type3A_691, %lt3A_703 : vector<16xi32>
      %or3A_705 = arith.ori %gt3A_701, %lt3A_704 : vector<16xi1>
      %jit3A_706 = arith.constant 1000 : i32
      %broadcast_in_dim3A_707 = vector.broadcast %jit3A_706 : i32 to vector<16xi32>
      %select_n3A_708 = arith.select %or3A_705, %broadcast_in_dim3A_707, %convert_element_type3A_691 : vector<16xi1>, vector<16xi32>
      %gt3A_709 = arith.constant 1000 : i32
      %gt3A_710 = vector.broadcast %gt3A_709 : i32 to vector<16xi32>
      %gt3A_711 = arith.cmpi sgt, %convert_element_type3A_698, %gt3A_710 : vector<16xi32>
      %lt3A_712 = arith.constant 0 : i32
      %lt3A_713 = vector.broadcast %lt3A_712 : i32 to vector<16xi32>
      %lt3A_714 = arith.cmpi slt, %convert_element_type3A_698, %lt3A_713 : vector<16xi32>
      %or3A_715 = arith.ori %gt3A_711, %lt3A_714 : vector<16xi1>
      %jit3A_716 = arith.constant 1000 : i32
      %broadcast_in_dim3A_717 = vector.broadcast %jit3A_716 : i32 to vector<16xi32>
      %select_n3A_718 = arith.select %or3A_715, %broadcast_in_dim3A_717, %convert_element_type3A_698 : vector<16xi1>, vector<16xi32>
      %swap3A_719 = arith.constant 80 : index
      %swap3A_720 = tpu.vector_load %arg11[%swap3A_719] {strides = array<i32>} : memref<128xi32, #tpu.memory_space<vmem>>, vector<16xi32>,
      %swap3A_721 = vector.shape_cast %swap3A_720 : vector<16xi32> to vector<16xi32>
      %swap3A_722 = vector.shape_cast %select_n3A_708 : vector<16xi32> to vector<16xi32>
      tpu.vector_store %arg11[%swap3A_719], %swap3A_722 {strides = array<i32>} : memref<128xi32, #tpu.memory_space<vmem>>, vector<16xi32>,
      %swap3A_723 = arith.constant 80 : index
      %swap3A_724 = tpu.vector_load %arg13[%swap3A_723] {strides = array<i32>} : memref<128xi32, #tpu.memory_space<vmem>>, vector<16xi32>,
      %swap3A_725 = vector.shape_cast %swap3A_724 : vector<16xi32> to vector<16xi32>
      %swap3A_726 = vector.shape_cast %select_n3A_718 : vector<16xi32> to vector<16xi32>
      tpu.vector_store %arg13[%swap3A_723], %swap3A_726 {strides = array<i32>} : memref<128xi32, #tpu.memory_space<vmem>>, vector<16xi32>,
      %get3A_727 = arith.constant 96 : index
      %get3A_728 = tpu.vector_load %arg7[%get3A_727] {strides = array<i32>} : memref<128xf32, #tpu.memory_space<vmem>>, vector<16xf32>,
      %get3A_729 = vector.shape_cast %get3A_728 : vector<16xf32> to vector<16xf32>
      %get3A_730 = arith.constant 96 : index
      %get3A_731 = tpu.vector_load %arg9[%get3A_730] {strides = array<i32>} : memref<128xf32, #tpu.memory_space<vmem>>, vector<16xf32>,
      %get3A_732 = vector.shape_cast %get3A_731 : vector<16xf32> to vector<16xf32>
      %sub3A_733 = arith.constant 0.000000e+00 : f32
      %sub3A_734 = vector.broadcast %sub3A_733 : f32 to vector<16xf32>
      %sub3A_735 = arith.subf %get3A_729, %sub3A_734 : vector<16xf32>
      %div3A_736 = arith.constant 1.000000e-03 : f32
      %div3A_737 = vector.broadcast %div3A_736 : f32 to vector<16xf32>
      %div3A_738 = arith.divf %sub3A_735, %div3A_737 : vector<16xf32>
      %convert_element_type3A_739 = arith.fptosi %div3A_738 : vector<16xf32> to vector<16xi32>
      %sub3A_740 = arith.constant 0.000000e+00 : f32
      %sub3A_741 = vector.broadcast %sub3A_740 : f32 to vector<16xf32>
      %sub3A_742 = arith.subf %get3A_732, %sub3A_741 : vector<16xf32>
      %div3A_743 = arith.constant 1.000000e-03 : f32
      %div3A_744 = vector.broadcast %div3A_743 : f32 to vector<16xf32>
      %div3A_745 = arith.divf %sub3A_742, %div3A_744 : vector<16xf32>
      %convert_element_type3A_746 = arith.fptosi %div3A_745 : vector<16xf32> to vector<16xi32>
      %gt3A_747 = arith.constant 1000 : i32
      %gt3A_748 = vector.broadcast %gt3A_747 : i32 to vector<16xi32>
      %gt3A_749 = arith.cmpi sgt, %convert_element_type3A_739, %gt3A_748 : vector<16xi32>
      %lt3A_750 = arith.constant 0 : i32
      %lt3A_751 = vector.broadcast %lt3A_750 : i32 to vector<16xi32>
      %lt3A_752 = arith.cmpi slt, %convert_element_type3A_739, %lt3A_751 : vector<16xi32>
      %or3A_753 = arith.ori %gt3A_749, %lt3A_752 : vector<16xi1>
      %jit3A_754 = arith.constant 1000 : i32
      %broadcast_in_dim3A_755 = vector.broadcast %jit3A_754 : i32 to vector<16xi32>
      %select_n3A_756 = arith.select %or3A_753, %broadcast_in_dim3A_755, %convert_element_type3A_739 : vector<16xi1>, vector<16xi32>
      %gt3A_757 = arith.constant 1000 : i32
      %gt3A_758 = vector.broadcast %gt3A_757 : i32 to vector<16xi32>
      %gt3A_759 = arith.cmpi sgt, %convert_element_type3A_746, %gt3A_758 : vector<16xi32>
      %lt3A_760 = arith.constant 0 : i32
      %lt3A_761 = vector.broadcast %lt3A_760 : i32 to vector<16xi32>
      %lt3A_762 = arith.cmpi slt, %convert_element_type3A_746, %lt3A_761 : vector<16xi32>
      %or3A_763 = arith.ori %gt3A_759, %lt3A_762 : vector<16xi1>
      %jit3A_764 = arith.constant 1000 : i32
      %broadcast_in_dim3A_765 = vector.broadcast %jit3A_764 : i32 to vector<16xi32>
      %select_n3A_766 = arith.select %or3A_763, %broadcast_in_dim3A_765, %convert_element_type3A_746 : vector<16xi1>, vector<16xi32>
      %swap3A_767 = arith.constant 96 : index
      %swap3A_768 = tpu.vector_load %arg11[%swap3A_767] {strides = array<i32>} : memref<128xi32, #tpu.memory_space<vmem>>, vector<16xi32>,
      %swap3A_769 = vector.shape_cast %swap3A_768 : vector<16xi32> to vector<16xi32>
      %swap3A_770 = vector.shape_cast %select_n3A_756 : vector<16xi32> to vector<16xi32>
      tpu.vector_store %arg11[%swap3A_767], %swap3A_770 {strides = array<i32>} : memref<128xi32, #tpu.memory_space<vmem>>, vector<16xi32>,
      %swap3A_771 = arith.constant 96 : index
      %swap3A_772 = tpu.vector_load %arg13[%swap3A_771] {strides = array<i32>} : memref<128xi32, #tpu.memory_space<vmem>>, vector<16xi32>,
      %swap3A_773 = vector.shape_cast %swap3A_772 : vector<16xi32> to vector<16xi32>
      %swap3A_774 = vector.shape_cast %select_n3A_766 : vector<16xi32> to vector<16xi32>
      tpu.vector_store %arg13[%swap3A_771], %swap3A_774 {strides = array<i32>} : memref<128xi32, #tpu.memory_space<vmem>>, vector<16xi32>,
      %get3A_775 = arith.constant 112 : index
      %get3A_776 = tpu.vector_load %arg7[%get3A_775] {strides = array<i32>} : memref<128xf32, #tpu.memory_space<vmem>>, vector<16xf32>,
      %get3A_777 = vector.shape_cast %get3A_776 : vector<16xf32> to vector<16xf32>
      %get3A_778 = arith.constant 112 : index
      %get3A_779 = tpu.vector_load %arg9[%get3A_778] {strides = array<i32>} : memref<128xf32, #tpu.memory_space<vmem>>, vector<16xf32>,
      %get3A_780 = vector.shape_cast %get3A_779 : vector<16xf32> to vector<16xf32>
      %sub3A_781 = arith.constant 0.000000e+00 : f32
      %sub3A_782 = vector.broadcast %sub3A_781 : f32 to vector<16xf32>
      %sub3A_783 = arith.subf %get3A_777, %sub3A_782 : vector<16xf32>
      %div3A_784 = arith.constant 1.000000e-03 : f32
      %div3A_785 = vector.broadcast %div3A_784 : f32 to vector<16xf32>
      %div3A_786 = arith.divf %sub3A_783, %div3A_785 : vector<16xf32>
      %convert_element_type3A_787 = arith.fptosi %div3A_786 : vector<16xf32> to vector<16xi32>
      %sub3A_788 = arith.constant 0.000000e+00 : f32
      %sub3A_789 = vector.broadcast %sub3A_788 : f32 to vector<16xf32>
      %sub3A_790 = arith.subf %get3A_780, %sub3A_789 : vector<16xf32>
      %div3A_791 = arith.constant 1.000000e-03 : f32
      %div3A_792 = vector.broadcast %div3A_791 : f32 to vector<16xf32>
      %div3A_793 = arith.divf %sub3A_790, %div3A_792 : vector<16xf32>
      %convert_element_type3A_794 = arith.fptosi %div3A_793 : vector<16xf32> to vector<16xi32>
      %gt3A_795 = arith.constant 1000 : i32
      %gt3A_796 = vector.broadcast %gt3A_795 : i32 to vector<16xi32>
      %gt3A_797 = arith.cmpi sgt, %convert_element_type3A_787, %gt3A_796 : vector<16xi32>
      %lt3A_798 = arith.constant 0 : i32
      %lt3A_799 = vector.broadcast %lt3A_798 : i32 to vector<16xi32>
      %lt3A_800 = arith.cmpi slt, %convert_element_type3A_787, %lt3A_799 : vector<16xi32>
      %or3A_801 = arith.ori %gt3A_797, %lt3A_800 : vector<16xi1>
      %jit3A_802 = arith.constant 1000 : i32
      %broadcast_in_dim3A_803 = vector.broadcast %jit3A_802 : i32 to vector<16xi32>
      %select_n3A_804 = arith.select %or3A_801, %broadcast_in_dim3A_803, %convert_element_type3A_787 : vector<16xi1>, vector<16xi32>
      %gt3A_805 = arith.constant 1000 : i32
      %gt3A_806 = vector.broadcast %gt3A_805 : i32 to vector<16xi32>
      %gt3A_807 = arith.cmpi sgt, %convert_element_type3A_794, %gt3A_806 : vector<16xi32>
      %lt3A_808 = arith.constant 0 : i32
      %lt3A_809 = vector.broadcast %lt3A_808 : i32 to vector<16xi32>
      %lt3A_810 = arith.cmpi slt, %convert_element_type3A_794, %lt3A_809 : vector<16xi32>
      %or3A_811 = arith.ori %gt3A_807, %lt3A_810 : vector<16xi1>
      %jit3A_812 = arith.constant 1000 : i32
      %broadcast_in_dim3A_813 = vector.broadcast %jit3A_812 : i32 to vector<16xi32>
      %select_n3A_814 = arith.select %or3A_811, %broadcast_in_dim3A_813, %convert_element_type3A_794 : vector<16xi1>, vector<16xi32>
      %swap3A_815 = arith.constant 112 : index
      %swap3A_816 = tpu.vector_load %arg11[%swap3A_815] {strides = array<i32>} : memref<128xi32, #tpu.memory_space<vmem>>, vector<16xi32>,
      %swap3A_817 = vector.shape_cast %swap3A_816 : vector<16xi32> to vector<16xi32>
      %swap3A_818 = vector.shape_cast %select_n3A_804 : vector<16xi32> to vector<16xi32>
      tpu.vector_store %arg11[%swap3A_815], %swap3A_818 {strides = array<i32>} : memref<128xi32, #tpu.memory_space<vmem>>, vector<16xi32>,
      %swap3A_819 = arith.constant 112 : index
      %swap3A_820 = tpu.vector_load %arg13[%swap3A_819] {strides = array<i32>} : memref<128xi32, #tpu.memory_space<vmem>>, vector<16xi32>,
      %swap3A_821 = vector.shape_cast %swap3A_820 : vector<16xi32> to vector<16xi32>
      %swap3A_822 = vector.shape_cast %select_n3A_814 : vector<16xi32> to vector<16xi32>
      tpu.vector_store %arg13[%swap3A_819], %swap3A_822 {strides = array<i32>} : memref<128xi32, #tpu.memory_space<vmem>>, vector<16xi32>,
      %dma_start3A_823 = arith.constant 0 : i32
      %dma_start3A_824 = arith.constant 0 : i32
      %dma_start3A_825 = tpu.memref_slice %arg26[%dma_start3A_823, %dma_start3A_824] : memref<1001x128xf32, #tpu.memory_space<vmem_shared>> -> memref<1001x128xf32, #tpu.memory_space<vmem_shared>>
      tpu.enqueue_indirect_dma source(%dma_start3A_825 : memref<1001x128xf32, #tpu.memory_space<vmem_shared>>) target(%arg15 : memref<128x128xf32, #tpu.memory_space<vmem>>) offsets(%arg11 : memref<128xi32, #tpu.memory_space<vmem>>) semaphore(%arg23 : memref<!tpu.dma_semaphore, #tpu.memory_space<semaphore_mem>>)
      %dma_start3A_826 = arith.constant 0 : i32
      %dma_start3A_827 = arith.constant 0 : i32
      %dma_start3A_828 = tpu.memref_slice %arg26[%dma_start3A_826, %dma_start3A_827] : memref<1001x128xf32, #tpu.memory_space<vmem_shared>> -> memref<1001x128xf32, #tpu.memory_space<vmem_shared>>
      tpu.enqueue_indirect_dma source(%dma_start3A_828 : memref<1001x128xf32, #tpu.memory_space<vmem_shared>>) target(%arg17 : memref<128x128xf32, #tpu.memory_space<vmem>>) offsets(%arg13 : memref<128xi32, #tpu.memory_space<vmem>>) semaphore(%arg23 : memref<!tpu.dma_semaphore, #tpu.memory_space<semaphore_mem>>)
      %add3A_829 = arith.constant 2 : i32
      %add3A_830 = arith.addi %add3A_438, %add3A_829 : i32
      %lt3A_831 = arith.constant 200 : i32
      %lt3A_832 = arith.cmpi slt, %add3A_830, %lt3A_831 : i32
      %convert_element_type3A_833 = arith.extui %lt3A_832 : i1 to i32
      %cond3A_834 = arith.constant 0 : i32
      %cond3A_835 = arith.cmpi ne, %convert_element_type3A_833, %cond3A_834 : i32
      scf.if %cond3A_835 {
        %add3A_892 = arith.constant 2 : i32
        %add3A_893 = arith.addi %add3A_438, %add3A_892 : i32
        %mul3A_894 = arith.constant 128 : i32
        %mul3A_895 = arith.muli %add3A_893, %mul3A_894 : i32
        %add3A_896 = arith.addi %mul3A_2, %mul3A_895 : i32
        %dma_start3A_897 = tpu.memref_slice %arg2[%add3A_896] : memref<819200xf32, #tpu.memory_space<hbm>> -> memref<128xf32, #tpu.memory_space<hbm>>
        %dma_start3A_898 = tpu.memref_slice %arg2[%add3A_896] : memref<819200xf32, #tpu.memory_space<hbm>> -> memref<128xf32, #tpu.memory_space<hbm>>
        tpu.enqueue_dma source(%dma_start3A_898 : memref<128xf32, #tpu.memory_space<hbm>>) target(%arg7 : memref<128xf32, #tpu.memory_space<vmem>>) target_semaphore(%arg21 : memref<!tpu.dma_semaphore, #tpu.memory_space<semaphore_mem>>)
        %dma_start3A_899 = tpu.memref_slice %arg3[%add3A_896] : memref<819200xf32, #tpu.memory_space<hbm>> -> memref<128xf32, #tpu.memory_space<hbm>>
        %dma_start3A_900 = tpu.memref_slice %arg3[%add3A_896] : memref<819200xf32, #tpu.memory_space<hbm>> -> memref<128xf32, #tpu.memory_space<hbm>>
        tpu.enqueue_dma source(%dma_start3A_900 : memref<128xf32, #tpu.memory_space<hbm>>) target(%arg9 : memref<128xf32, #tpu.memory_space<vmem>>) target_semaphore(%arg21 : memref<!tpu.dma_semaphore, #tpu.memory_space<semaphore_mem>>)
      } else {
      }
      %ge3A = arith.constant 2 : i32
      %ge3A_836 = arith.cmpi sge, %mul3A_428, %ge3A : i32
      %convert_element_type3A_837 = arith.extui %ge3A_836 : i1 to i32
      %cond3A_838 = arith.constant 0 : i32
      %cond3A_839 = arith.cmpi ne, %convert_element_type3A_837, %cond3A_838 : i32
      scf.if %cond3A_839 {
        %dma_wait3A_892 = arith.constant 0 : i32
        %dma_wait3A_893 = arith.constant 0 : i32
        %dma_wait3A_894 = tpu.memref_slice %arg5[%dma_wait3A_892, %dma_wait3A_893] : memref<819200x64xf32, #tpu.memory_space<hbm>> -> memref<128x64xf32, #tpu.memory_space<hbm>>
        %dma_wait3A_895 = arith.constant 0 : i32
        %dma_wait3A_896 = arith.constant 0 : i32
        %dma_wait3A_897 = tpu.memref_slice %arg5[%dma_wait3A_895, %dma_wait3A_896] : memref<819200x64xf32, #tpu.memory_space<hbm>> -> memref<128x64xf32, #tpu.memory_space<hbm>>
        tpu.wait_dma2 semaphore(%arg24 : memref<!tpu.dma_semaphore, #tpu.memory_space<semaphore_mem>>) src(%arg18 : memref<128x64xf32, #tpu.memory_space<vmem>>) dst(%dma_wait3A_897 : memref<128x64xf32, #tpu.memory_space<hbm>>)
      } else {
      }
      %dma_wait3A_840 = arith.constant 0 : i32
      %dma_wait3A_841 = arith.constant 0 : i32
      %dma_wait3A_842 = tpu.memref_slice %arg26[%dma_wait3A_840, %dma_wait3A_841] : memref<1001x128xf32, #tpu.memory_space<vmem_shared>> -> memref<1001x128xf32, #tpu.memory_space<vmem_shared>>
      tpu.wait_indirect_dma semaphore(%arg22 : memref<!tpu.dma_semaphore, #tpu.memory_space<semaphore_mem>>) src(%dma_wait3A_842 : memref<1001x128xf32, #tpu.memory_space<vmem_shared>>) dst(%arg14 : memref<128x128xf32, #tpu.memory_space<vmem>>)
      %dma_wait3A_843 = arith.constant 0 : i32
      %dma_wait3A_844 = arith.constant 0 : i32
      %dma_wait3A_845 = tpu.memref_slice %arg26[%dma_wait3A_843, %dma_wait3A_844] : memref<1001x128xf32, #tpu.memory_space<vmem_shared>> -> memref<1001x128xf32, #tpu.memory_space<vmem_shared>>
      tpu.wait_indirect_dma semaphore(%arg22 : memref<!tpu.dma_semaphore, #tpu.memory_space<semaphore_mem>>) src(%dma_wait3A_845 : memref<1001x128xf32, #tpu.memory_space<vmem_shared>>) dst(%arg16 : memref<128x128xf32, #tpu.memory_space<vmem>>)
      %scan3A_846 = arith.constant 0 : i32
      %scan3A_847 = arith.constant 0 : i32
      %scan3A_848 = arith.constant 64 : i32
      %scan3A_849 = arith.addi %scan3A_847, %scan3A_848 : i32
      %scan3A_850 = arith.constant 1 : i32
      scf.for %scan3A_892 = %scan3A_847 to %scan3A_849 step %scan3A_850  : i32 {
        %mul3A_893 = arith.constant 2 : i32
        %mul3A_894 = arith.muli %mul3A_893, %scan3A_892 : i32
        %add3A_895 = arith.constant 0 : i32
        %add3A_896 = arith.addi %mul3A_894, %add3A_895 : i32
        %get3A_897 = arith.index_cast %add3A_896 : i32 to index
        %get3A_898 = arith.constant 0 : index
        %get3A_899 = tpu.vector_load %arg14[%get3A_897, %get3A_898] {strides = array<i32>} : memref<128x128xf32, #tpu.memory_space<vmem>>, vector<1x16xf32>,
        %get3A_900 = vector.shape_cast %get3A_899 : vector<1x16xf32> to vector<16xf32>
        %get3A_901 = arith.index_cast %add3A_896 : i32 to index
        %get3A_902 = arith.constant 64 : index
        %get3A_903 = tpu.vector_load %arg16[%get3A_901, %get3A_902] {strides = array<i32>} : memref<128x128xf32, #tpu.memory_space<vmem>>, vector<1x16xf32>,
        %get3A_904 = vector.shape_cast %get3A_903 : vector<1x16xf32> to vector<16xf32>
        %add3A_905 = arith.addf %get3A_900, %get3A_904 : vector<16xf32>
        %swap3A_906 = arith.index_cast %add3A_896 : i32 to index
        %swap3A_907 = arith.constant 0 : index
        %swap3A_908 = tpu.vector_load %arg18[%swap3A_906, %swap3A_907] {strides = array<i32>} : memref<128x64xf32, #tpu.memory_space<vmem>>, vector<1x16xf32>,
        %swap3A_909 = vector.shape_cast %swap3A_908 : vector<1x16xf32> to vector<16xf32>
        %swap3A_910 = vector.shape_cast %add3A_905 : vector<16xf32> to vector<1x16xf32>
        tpu.vector_store %arg18[%swap3A_906, %swap3A_907], %swap3A_910 {strides = array<i32>} : memref<128x64xf32, #tpu.memory_space<vmem>>, vector<1x16xf32>,
        %get3A_911 = arith.index_cast %add3A_896 : i32 to index
        %get3A_912 = arith.constant 16 : index
        %get3A_913 = tpu.vector_load %arg14[%get3A_911, %get3A_912] {strides = array<i32>} : memref<128x128xf32, #tpu.memory_space<vmem>>, vector<1x16xf32>,
        %get3A_914 = vector.shape_cast %get3A_913 : vector<1x16xf32> to vector<16xf32>
        %get3A_915 = arith.index_cast %add3A_896 : i32 to index
        %get3A_916 = arith.constant 80 : index
        %get3A_917 = tpu.vector_load %arg16[%get3A_915, %get3A_916] {strides = array<i32>} : memref<128x128xf32, #tpu.memory_space<vmem>>, vector<1x16xf32>,
        %get3A_918 = vector.shape_cast %get3A_917 : vector<1x16xf32> to vector<16xf32>
        %add3A_919 = arith.addf %get3A_914, %get3A_918 : vector<16xf32>
        %swap3A_920 = arith.index_cast %add3A_896 : i32 to index
        %swap3A_921 = arith.constant 16 : index
        %swap3A_922 = tpu.vector_load %arg18[%swap3A_920, %swap3A_921] {strides = array<i32>} : memref<128x64xf32, #tpu.memory_space<vmem>>, vector<1x16xf32>,
        %swap3A_923 = vector.shape_cast %swap3A_922 : vector<1x16xf32> to vector<16xf32>
        %swap3A_924 = vector.shape_cast %add3A_919 : vector<16xf32> to vector<1x16xf32>
        tpu.vector_store %arg18[%swap3A_920, %swap3A_921], %swap3A_924 {strides = array<i32>} : memref<128x64xf32, #tpu.memory_space<vmem>>, vector<1x16xf32>,
        %get3A_925 = arith.index_cast %add3A_896 : i32 to index
        %get3A_926 = arith.constant 32 : index
        %get3A_927 = tpu.vector_load %arg14[%get3A_925, %get3A_926] {strides = array<i32>} : memref<128x128xf32, #tpu.memory_space<vmem>>, vector<1x16xf32>,
        %get3A_928 = vector.shape_cast %get3A_927 : vector<1x16xf32> to vector<16xf32>
        %get3A_929 = arith.index_cast %add3A_896 : i32 to index
        %get3A_930 = arith.constant 96 : index
        %get3A_931 = tpu.vector_load %arg16[%get3A_929, %get3A_930] {strides = array<i32>} : memref<128x128xf32, #tpu.memory_space<vmem>>, vector<1x16xf32>,
        %get3A_932 = vector.shape_cast %get3A_931 : vector<1x16xf32> to vector<16xf32>
        %add3A_933 = arith.addf %get3A_928, %get3A_932 : vector<16xf32>
        %swap3A_934 = arith.index_cast %add3A_896 : i32 to index
        %swap3A_935 = arith.constant 32 : index
        %swap3A_936 = tpu.vector_load %arg18[%swap3A_934, %swap3A_935] {strides = array<i32>} : memref<128x64xf32, #tpu.memory_space<vmem>>, vector<1x16xf32>,
        %swap3A_937 = vector.shape_cast %swap3A_936 : vector<1x16xf32> to vector<16xf32>
        %swap3A_938 = vector.shape_cast %add3A_933 : vector<16xf32> to vector<1x16xf32>
        tpu.vector_store %arg18[%swap3A_934, %swap3A_935], %swap3A_938 {strides = array<i32>} : memref<128x64xf32, #tpu.memory_space<vmem>>, vector<1x16xf32>,
        %get3A_939 = arith.index_cast %add3A_896 : i32 to index
        %get3A_940 = arith.constant 48 : index
        %get3A_941 = tpu.vector_load %arg14[%get3A_939, %get3A_940] {strides = array<i32>} : memref<128x128xf32, #tpu.memory_space<vmem>>, vector<1x16xf32>,
        %get3A_942 = vector.shape_cast %get3A_941 : vector<1x16xf32> to vector<16xf32>
        %get3A_943 = arith.index_cast %add3A_896 : i32 to index
        %get3A_944 = arith.constant 112 : index
        %get3A_945 = tpu.vector_load %arg16[%get3A_943, %get3A_944] {strides = array<i32>} : memref<128x128xf32, #tpu.memory_space<vmem>>, vector<1x16xf32>,
        %get3A_946 = vector.shape_cast %get3A_945 : vector<1x16xf32> to vector<16xf32>
        %add3A_947 = arith.addf %get3A_942, %get3A_946 : vector<16xf32>
        %swap3A_948 = arith.index_cast %add3A_896 : i32 to index
        %swap3A_949 = arith.constant 48 : index
        %swap3A_950 = tpu.vector_load %arg18[%swap3A_948, %swap3A_949] {strides = array<i32>} : memref<128x64xf32, #tpu.memory_space<vmem>>, vector<1x16xf32>,
        %swap3A_951 = vector.shape_cast %swap3A_950 : vector<1x16xf32> to vector<16xf32>
        %swap3A_952 = vector.shape_cast %add3A_947 : vector<16xf32> to vector<1x16xf32>
        tpu.vector_store %arg18[%swap3A_948, %swap3A_949], %swap3A_952 {strides = array<i32>} : memref<128x64xf32, #tpu.memory_space<vmem>>, vector<1x16xf32>,
        %mul3A_953 = arith.constant 2 : i32
        %mul3A_954 = arith.muli %mul3A_953, %scan3A_892 : i32
        %add3A_955 = arith.constant 1 : i32
        %add3A_956 = arith.addi %mul3A_954, %add3A_955 : i32
        %get3A_957 = arith.index_cast %add3A_956 : i32 to index
        %get3A_958 = arith.constant 0 : index
        %get3A_959 = tpu.vector_load %arg14[%get3A_957, %get3A_958] {strides = array<i32>} : memref<128x128xf32, #tpu.memory_space<vmem>>, vector<1x16xf32>,
        %get3A_960 = vector.shape_cast %get3A_959 : vector<1x16xf32> to vector<16xf32>
        %get3A_961 = arith.index_cast %add3A_956 : i32 to index
        %get3A_962 = arith.constant 64 : index
        %get3A_963 = tpu.vector_load %arg16[%get3A_961, %get3A_962] {strides = array<i32>} : memref<128x128xf32, #tpu.memory_space<vmem>>, vector<1x16xf32>,
        %get3A_964 = vector.shape_cast %get3A_963 : vector<1x16xf32> to vector<16xf32>
        %add3A_965 = arith.addf %get3A_960, %get3A_964 : vector<16xf32>
        %swap3A_966 = arith.index_cast %add3A_956 : i32 to index
        %swap3A_967 = arith.constant 0 : index
        %swap3A_968 = tpu.vector_load %arg18[%swap3A_966, %swap3A_967] {strides = array<i32>} : memref<128x64xf32, #tpu.memory_space<vmem>>, vector<1x16xf32>,
        %swap3A_969 = vector.shape_cast %swap3A_968 : vector<1x16xf32> to vector<16xf32>
        %swap3A_970 = vector.shape_cast %add3A_965 : vector<16xf32> to vector<1x16xf32>
        tpu.vector_store %arg18[%swap3A_966, %swap3A_967], %swap3A_970 {strides = array<i32>} : memref<128x64xf32, #tpu.memory_space<vmem>>, vector<1x16xf32>,
        %get3A_971 = arith.index_cast %add3A_956 : i32 to index
        %get3A_972 = arith.constant 16 : index
        %get3A_973 = tpu.vector_load %arg14[%get3A_971, %get3A_972] {strides = array<i32>} : memref<128x128xf32, #tpu.memory_space<vmem>>, vector<1x16xf32>,
        %get3A_974 = vector.shape_cast %get3A_973 : vector<1x16xf32> to vector<16xf32>
        %get3A_975 = arith.index_cast %add3A_956 : i32 to index
        %get3A_976 = arith.constant 80 : index
        %get3A_977 = tpu.vector_load %arg16[%get3A_975, %get3A_976] {strides = array<i32>} : memref<128x128xf32, #tpu.memory_space<vmem>>, vector<1x16xf32>,
        %get3A_978 = vector.shape_cast %get3A_977 : vector<1x16xf32> to vector<16xf32>
        %add3A_979 = arith.addf %get3A_974, %get3A_978 : vector<16xf32>
        %swap3A_980 = arith.index_cast %add3A_956 : i32 to index
        %swap3A_981 = arith.constant 16 : index
        %swap3A_982 = tpu.vector_load %arg18[%swap3A_980, %swap3A_981] {strides = array<i32>} : memref<128x64xf32, #tpu.memory_space<vmem>>, vector<1x16xf32>,
        %swap3A_983 = vector.shape_cast %swap3A_982 : vector<1x16xf32> to vector<16xf32>
        %swap3A_984 = vector.shape_cast %add3A_979 : vector<16xf32> to vector<1x16xf32>
        tpu.vector_store %arg18[%swap3A_980, %swap3A_981], %swap3A_984 {strides = array<i32>} : memref<128x64xf32, #tpu.memory_space<vmem>>, vector<1x16xf32>,
        %get3A_985 = arith.index_cast %add3A_956 : i32 to index
        %get3A_986 = arith.constant 32 : index
        %get3A_987 = tpu.vector_load %arg14[%get3A_985, %get3A_986] {strides = array<i32>} : memref<128x128xf32, #tpu.memory_space<vmem>>, vector<1x16xf32>,
        %get3A_988 = vector.shape_cast %get3A_987 : vector<1x16xf32> to vector<16xf32>
        %get3A_989 = arith.index_cast %add3A_956 : i32 to index
        %get3A_990 = arith.constant 96 : index
        %get3A_991 = tpu.vector_load %arg16[%get3A_989, %get3A_990] {strides = array<i32>} : memref<128x128xf32, #tpu.memory_space<vmem>>, vector<1x16xf32>,
        %get3A_992 = vector.shape_cast %get3A_991 : vector<1x16xf32> to vector<16xf32>
        %add3A_993 = arith.addf %get3A_988, %get3A_992 : vector<16xf32>
        %swap3A_994 = arith.index_cast %add3A_956 : i32 to index
        %swap3A_995 = arith.constant 32 : index
        %swap3A_996 = tpu.vector_load %arg18[%swap3A_994, %swap3A_995] {strides = array<i32>} : memref<128x64xf32, #tpu.memory_space<vmem>>, vector<1x16xf32>,
        %swap3A_997 = vector.shape_cast %swap3A_996 : vector<1x16xf32> to vector<16xf32>
        %swap3A_998 = vector.shape_cast %add3A_993 : vector<16xf32> to vector<1x16xf32>
        tpu.vector_store %arg18[%swap3A_994, %swap3A_995], %swap3A_998 {strides = array<i32>} : memref<128x64xf32, #tpu.memory_space<vmem>>, vector<1x16xf32>,
        %get3A_999 = arith.index_cast %add3A_956 : i32 to index
        %get3A_1000 = arith.constant 48 : index
        %get3A_1001 = tpu.vector_load %arg14[%get3A_999, %get3A_1000] {strides = array<i32>} : memref<128x128xf32, #tpu.memory_space<vmem>>, vector<1x16xf32>,
        %get3A_1002 = vector.shape_cast %get3A_1001 : vector<1x16xf32> to vector<16xf32>
        %get3A_1003 = arith.index_cast %add3A_956 : i32 to index
        %get3A_1004 = arith.constant 112 : index
        %get3A_1005 = tpu.vector_load %arg16[%get3A_1003, %get3A_1004] {strides = array<i32>} : memref<128x128xf32, #tpu.memory_space<vmem>>, vector<1x16xf32>,
        %get3A_1006 = vector.shape_cast %get3A_1005 : vector<1x16xf32> to vector<16xf32>
        %add3A_1007 = arith.addf %get3A_1002, %get3A_1006 : vector<16xf32>
        %swap3A_1008 = arith.index_cast %add3A_956 : i32 to index
        %swap3A_1009 = arith.constant 48 : index
        %swap3A_1010 = tpu.vector_load %arg18[%swap3A_1008, %swap3A_1009] {strides = array<i32>} : memref<128x64xf32, #tpu.memory_space<vmem>>, vector<1x16xf32>,
        %swap3A_1011 = vector.shape_cast %swap3A_1010 : vector<1x16xf32> to vector<16xf32>
        %swap3A_1012 = vector.shape_cast %add3A_1007 : vector<16xf32> to vector<1x16xf32>
        tpu.vector_store %arg18[%swap3A_1008, %swap3A_1009], %swap3A_1012 {strides = array<i32>} : memref<128x64xf32, #tpu.memory_space<vmem>>, vector<1x16xf32>,
      }
      %scan3A_851 = arith.constant 64 : i32
      %mul3A_852 = arith.constant 128 : i32
      %mul3A_853 = arith.muli %mul3A_428, %mul3A_852 : i32
      %add3A_854 = arith.addi %mul3A_2, %mul3A_853 : i32
      %dma_start3A_855 = arith.constant 0 : i32
      %dma_start3A_856 = tpu.memref_slice %arg5[%add3A_854, %dma_start3A_855] : memref<819200x64xf32, #tpu.memory_space<hbm>> -> memref<128x64xf32, #tpu.memory_space<hbm>>
      %dma_start3A_857 = arith.constant 0 : i32
      %dma_start3A_858 = tpu.memref_slice %arg5[%add3A_854, %dma_start3A_857] : memref<819200x64xf32, #tpu.memory_space<hbm>> -> memref<128x64xf32, #tpu.memory_space<hbm>>
      tpu.enqueue_dma source(%arg18 : memref<128x64xf32, #tpu.memory_space<vmem>>) target(%dma_start3A_858 : memref<128x64xf32, #tpu.memory_space<hbm>>) target_semaphore(%arg24 : memref<!tpu.dma_semaphore, #tpu.memory_space<semaphore_mem>>)
      %add3A_859 = arith.constant 2 : i32
      %add3A_860 = arith.addi %mul3A_428, %add3A_859 : i32
      %lt3A_861 = arith.constant 200 : i32
      %lt3A_862 = arith.cmpi slt, %add3A_860, %lt3A_861 : i32
      %convert_element_type3A_863 = arith.extui %lt3A_862 : i1 to i32
      %cond3A_864 = arith.constant 0 : i32
      %cond3A_865 = arith.cmpi ne, %convert_element_type3A_863, %cond3A_864 : i32
      scf.if %cond3A_865 {
        %dma_wait3A_892 = arith.constant 0 : i32
        %dma_wait3A_893 = tpu.memref_slice %arg2[%dma_wait3A_892] : memref<819200xf32, #tpu.memory_space<hbm>> -> memref<128xf32, #tpu.memory_space<hbm>>
        %dma_wait3A_894 = arith.constant 0 : i32
        %dma_wait3A_895 = tpu.memref_slice %arg2[%dma_wait3A_894] : memref<819200xf32, #tpu.memory_space<hbm>> -> memref<128xf32, #tpu.memory_space<hbm>>
        tpu.wait_dma2 semaphore(%arg20 : memref<!tpu.dma_semaphore, #tpu.memory_space<semaphore_mem>>) src(%dma_wait3A_895 : memref<128xf32, #tpu.memory_space<hbm>>) dst(%arg6 : memref<128xf32, #tpu.memory_space<vmem>>)
        %dma_wait3A_896 = arith.constant 0 : i32
        %dma_wait3A_897 = tpu.memref_slice %arg3[%dma_wait3A_896] : memref<819200xf32, #tpu.memory_space<hbm>> -> memref<128xf32, #tpu.memory_space<hbm>>
        %dma_wait3A_898 = arith.constant 0 : i32
        %dma_wait3A_899 = tpu.memref_slice %arg3[%dma_wait3A_898] : memref<819200xf32, #tpu.memory_space<hbm>> -> memref<128xf32, #tpu.memory_space<hbm>>
        tpu.wait_dma2 semaphore(%arg20 : memref<!tpu.dma_semaphore, #tpu.memory_space<semaphore_mem>>) src(%dma_wait3A_899 : memref<128xf32, #tpu.memory_space<hbm>>) dst(%arg8 : memref<128xf32, #tpu.memory_space<vmem>>)
        %add3A_900 = arith.constant 2 : i32
        %add3A_901 = arith.addi %mul3A_428, %add3A_900 : i32
        %get3A_902 = arith.constant 0 : index
        %get3A_903 = tpu.vector_load %arg6[%get3A_902] {strides = array<i32>} : memref<128xf32, #tpu.memory_space<vmem>>, vector<16xf32>,
        %get3A_904 = vector.shape_cast %get3A_903 : vector<16xf32> to vector<16xf32>
        %get3A_905 = arith.constant 0 : index
        %get3A_906 = tpu.vector_load %arg8[%get3A_905] {strides = array<i32>} : memref<128xf32, #tpu.memory_space<vmem>>, vector<16xf32>,
        %get3A_907 = vector.shape_cast %get3A_906 : vector<16xf32> to vector<16xf32>
        %sub3A_908 = arith.constant 0.000000e+00 : f32
        %sub3A_909 = vector.broadcast %sub3A_908 : f32 to vector<16xf32>
        %sub3A_910 = arith.subf %get3A_904, %sub3A_909 : vector<16xf32>
        %div3A_911 = arith.constant 1.000000e-03 : f32
        %div3A_912 = vector.broadcast %div3A_911 : f32 to vector<16xf32>
        %div3A_913 = arith.divf %sub3A_910, %div3A_912 : vector<16xf32>
        %convert_element_type3A_914 = arith.fptosi %div3A_913 : vector<16xf32> to vector<16xi32>
        %sub3A_915 = arith.constant 0.000000e+00 : f32
        %sub3A_916 = vector.broadcast %sub3A_915 : f32 to vector<16xf32>
        %sub3A_917 = arith.subf %get3A_907, %sub3A_916 : vector<16xf32>
        %div3A_918 = arith.constant 1.000000e-03 : f32
        %div3A_919 = vector.broadcast %div3A_918 : f32 to vector<16xf32>
        %div3A_920 = arith.divf %sub3A_917, %div3A_919 : vector<16xf32>
        %convert_element_type3A_921 = arith.fptosi %div3A_920 : vector<16xf32> to vector<16xi32>
        %gt3A_922 = arith.constant 1000 : i32
        %gt3A_923 = vector.broadcast %gt3A_922 : i32 to vector<16xi32>
        %gt3A_924 = arith.cmpi sgt, %convert_element_type3A_914, %gt3A_923 : vector<16xi32>
        %lt3A_925 = arith.constant 0 : i32
        %lt3A_926 = vector.broadcast %lt3A_925 : i32 to vector<16xi32>
        %lt3A_927 = arith.cmpi slt, %convert_element_type3A_914, %lt3A_926 : vector<16xi32>
        %or3A_928 = arith.ori %gt3A_924, %lt3A_927 : vector<16xi1>
        %jit3A_929 = arith.constant 1000 : i32
        %broadcast_in_dim3A_930 = vector.broadcast %jit3A_929 : i32 to vector<16xi32>
        %select_n3A_931 = arith.select %or3A_928, %broadcast_in_dim3A_930, %convert_element_type3A_914 : vector<16xi1>, vector<16xi32>
        %gt3A_932 = arith.constant 1000 : i32
        %gt3A_933 = vector.broadcast %gt3A_932 : i32 to vector<16xi32>
        %gt3A_934 = arith.cmpi sgt, %convert_element_type3A_921, %gt3A_933 : vector<16xi32>
        %lt3A_935 = arith.constant 0 : i32
        %lt3A_936 = vector.broadcast %lt3A_935 : i32 to vector<16xi32>
        %lt3A_937 = arith.cmpi slt, %convert_element_type3A_921, %lt3A_936 : vector<16xi32>
        %or3A_938 = arith.ori %gt3A_934, %lt3A_937 : vector<16xi1>
        %jit3A_939 = arith.constant 1000 : i32
        %broadcast_in_dim3A_940 = vector.broadcast %jit3A_939 : i32 to vector<16xi32>
        %select_n3A_941 = arith.select %or3A_938, %broadcast_in_dim3A_940, %convert_element_type3A_921 : vector<16xi1>, vector<16xi32>
        %swap3A_942 = arith.constant 0 : index
        %swap3A_943 = tpu.vector_load %arg10[%swap3A_942] {strides = array<i32>} : memref<128xi32, #tpu.memory_space<vmem>>, vector<16xi32>,
        %swap3A_944 = vector.shape_cast %swap3A_943 : vector<16xi32> to vector<16xi32>
        %swap3A_945 = vector.shape_cast %select_n3A_931 : vector<16xi32> to vector<16xi32>
        tpu.vector_store %arg10[%swap3A_942], %swap3A_945 {strides = array<i32>} : memref<128xi32, #tpu.memory_space<vmem>>, vector<16xi32>,
        %swap3A_946 = arith.constant 0 : index
        %swap3A_947 = tpu.vector_load %arg12[%swap3A_946] {strides = array<i32>} : memref<128xi32, #tpu.memory_space<vmem>>, vector<16xi32>,
        %swap3A_948 = vector.shape_cast %swap3A_947 : vector<16xi32> to vector<16xi32>
        %swap3A_949 = vector.shape_cast %select_n3A_941 : vector<16xi32> to vector<16xi32>
        tpu.vector_store %arg12[%swap3A_946], %swap3A_949 {strides = array<i32>} : memref<128xi32, #tpu.memory_space<vmem>>, vector<16xi32>,
        %get3A_950 = arith.constant 16 : index
        %get3A_951 = tpu.vector_load %arg6[%get3A_950] {strides = array<i32>} : memref<128xf32, #tpu.memory_space<vmem>>, vector<16xf32>,
        %get3A_952 = vector.shape_cast %get3A_951 : vector<16xf32> to vector<16xf32>
        %get3A_953 = arith.constant 16 : index
        %get3A_954 = tpu.vector_load %arg8[%get3A_953] {strides = array<i32>} : memref<128xf32, #tpu.memory_space<vmem>>, vector<16xf32>,
        %get3A_955 = vector.shape_cast %get3A_954 : vector<16xf32> to vector<16xf32>
        %sub3A_956 = arith.constant 0.000000e+00 : f32
        %sub3A_957 = vector.broadcast %sub3A_956 : f32 to vector<16xf32>
        %sub3A_958 = arith.subf %get3A_952, %sub3A_957 : vector<16xf32>
        %div3A_959 = arith.constant 1.000000e-03 : f32
        %div3A_960 = vector.broadcast %div3A_959 : f32 to vector<16xf32>
        %div3A_961 = arith.divf %sub3A_958, %div3A_960 : vector<16xf32>
        %convert_element_type3A_962 = arith.fptosi %div3A_961 : vector<16xf32> to vector<16xi32>
        %sub3A_963 = arith.constant 0.000000e+00 : f32
        %sub3A_964 = vector.broadcast %sub3A_963 : f32 to vector<16xf32>
        %sub3A_965 = arith.subf %get3A_955, %sub3A_964 : vector<16xf32>
        %div3A_966 = arith.constant 1.000000e-03 : f32
        %div3A_967 = vector.broadcast %div3A_966 : f32 to vector<16xf32>
        %div3A_968 = arith.divf %sub3A_965, %div3A_967 : vector<16xf32>
        %convert_element_type3A_969 = arith.fptosi %div3A_968 : vector<16xf32> to vector<16xi32>
        %gt3A_970 = arith.constant 1000 : i32
        %gt3A_971 = vector.broadcast %gt3A_970 : i32 to vector<16xi32>
        %gt3A_972 = arith.cmpi sgt, %convert_element_type3A_962, %gt3A_971 : vector<16xi32>
        %lt3A_973 = arith.constant 0 : i32
        %lt3A_974 = vector.broadcast %lt3A_973 : i32 to vector<16xi32>
        %lt3A_975 = arith.cmpi slt, %convert_element_type3A_962, %lt3A_974 : vector<16xi32>
        %or3A_976 = arith.ori %gt3A_972, %lt3A_975 : vector<16xi1>
        %jit3A_977 = arith.constant 1000 : i32
        %broadcast_in_dim3A_978 = vector.broadcast %jit3A_977 : i32 to vector<16xi32>
        %select_n3A_979 = arith.select %or3A_976, %broadcast_in_dim3A_978, %convert_element_type3A_962 : vector<16xi1>, vector<16xi32>
        %gt3A_980 = arith.constant 1000 : i32
        %gt3A_981 = vector.broadcast %gt3A_980 : i32 to vector<16xi32>
        %gt3A_982 = arith.cmpi sgt, %convert_element_type3A_969, %gt3A_981 : vector<16xi32>
        %lt3A_983 = arith.constant 0 : i32
        %lt3A_984 = vector.broadcast %lt3A_983 : i32 to vector<16xi32>
        %lt3A_985 = arith.cmpi slt, %convert_element_type3A_969, %lt3A_984 : vector<16xi32>
        %or3A_986 = arith.ori %gt3A_982, %lt3A_985 : vector<16xi1>
        %jit3A_987 = arith.constant 1000 : i32
        %broadcast_in_dim3A_988 = vector.broadcast %jit3A_987 : i32 to vector<16xi32>
        %select_n3A_989 = arith.select %or3A_986, %broadcast_in_dim3A_988, %convert_element_type3A_969 : vector<16xi1>, vector<16xi32>
        %swap3A_990 = arith.constant 16 : index
        %swap3A_991 = tpu.vector_load %arg10[%swap3A_990] {strides = array<i32>} : memref<128xi32, #tpu.memory_space<vmem>>, vector<16xi32>,
        %swap3A_992 = vector.shape_cast %swap3A_991 : vector<16xi32> to vector<16xi32>
        %swap3A_993 = vector.shape_cast %select_n3A_979 : vector<16xi32> to vector<16xi32>
        tpu.vector_store %arg10[%swap3A_990], %swap3A_993 {strides = array<i32>} : memref<128xi32, #tpu.memory_space<vmem>>, vector<16xi32>,
        %swap3A_994 = arith.constant 16 : index
        %swap3A_995 = tpu.vector_load %arg12[%swap3A_994] {strides = array<i32>} : memref<128xi32, #tpu.memory_space<vmem>>, vector<16xi32>,
        %swap3A_996 = vector.shape_cast %swap3A_995 : vector<16xi32> to vector<16xi32>
        %swap3A_997 = vector.shape_cast %select_n3A_989 : vector<16xi32> to vector<16xi32>
        tpu.vector_store %arg12[%swap3A_994], %swap3A_997 {strides = array<i32>} : memref<128xi32, #tpu.memory_space<vmem>>, vector<16xi32>,
        %get3A_998 = arith.constant 32 : index
        %get3A_999 = tpu.vector_load %arg6[%get3A_998] {strides = array<i32>} : memref<128xf32, #tpu.memory_space<vmem>>, vector<16xf32>,
        %get3A_1000 = vector.shape_cast %get3A_999 : vector<16xf32> to vector<16xf32>
        %get3A_1001 = arith.constant 32 : index
        %get3A_1002 = tpu.vector_load %arg8[%get3A_1001] {strides = array<i32>} : memref<128xf32, #tpu.memory_space<vmem>>, vector<16xf32>,
        %get3A_1003 = vector.shape_cast %get3A_1002 : vector<16xf32> to vector<16xf32>
        %sub3A_1004 = arith.constant 0.000000e+00 : f32
        %sub3A_1005 = vector.broadcast %sub3A_1004 : f32 to vector<16xf32>
        %sub3A_1006 = arith.subf %get3A_1000, %sub3A_1005 : vector<16xf32>
        %div3A_1007 = arith.constant 1.000000e-03 : f32
        %div3A_1008 = vector.broadcast %div3A_1007 : f32 to vector<16xf32>
        %div3A_1009 = arith.divf %sub3A_1006, %div3A_1008 : vector<16xf32>
        %convert_element_type3A_1010 = arith.fptosi %div3A_1009 : vector<16xf32> to vector<16xi32>
        %sub3A_1011 = arith.constant 0.000000e+00 : f32
        %sub3A_1012 = vector.broadcast %sub3A_1011 : f32 to vector<16xf32>
        %sub3A_1013 = arith.subf %get3A_1003, %sub3A_1012 : vector<16xf32>
        %div3A_1014 = arith.constant 1.000000e-03 : f32
        %div3A_1015 = vector.broadcast %div3A_1014 : f32 to vector<16xf32>
        %div3A_1016 = arith.divf %sub3A_1013, %div3A_1015 : vector<16xf32>
        %convert_element_type3A_1017 = arith.fptosi %div3A_1016 : vector<16xf32> to vector<16xi32>
        %gt3A_1018 = arith.constant 1000 : i32
        %gt3A_1019 = vector.broadcast %gt3A_1018 : i32 to vector<16xi32>
        %gt3A_1020 = arith.cmpi sgt, %convert_element_type3A_1010, %gt3A_1019 : vector<16xi32>
        %lt3A_1021 = arith.constant 0 : i32
        %lt3A_1022 = vector.broadcast %lt3A_1021 : i32 to vector<16xi32>
        %lt3A_1023 = arith.cmpi slt, %convert_element_type3A_1010, %lt3A_1022 : vector<16xi32>
        %or3A_1024 = arith.ori %gt3A_1020, %lt3A_1023 : vector<16xi1>
        %jit3A_1025 = arith.constant 1000 : i32
        %broadcast_in_dim3A_1026 = vector.broadcast %jit3A_1025 : i32 to vector<16xi32>
        %select_n3A_1027 = arith.select %or3A_1024, %broadcast_in_dim3A_1026, %convert_element_type3A_1010 : vector<16xi1>, vector<16xi32>
        %gt3A_1028 = arith.constant 1000 : i32
        %gt3A_1029 = vector.broadcast %gt3A_1028 : i32 to vector<16xi32>
        %gt3A_1030 = arith.cmpi sgt, %convert_element_type3A_1017, %gt3A_1029 : vector<16xi32>
        %lt3A_1031 = arith.constant 0 : i32
        %lt3A_1032 = vector.broadcast %lt3A_1031 : i32 to vector<16xi32>
        %lt3A_1033 = arith.cmpi slt, %convert_element_type3A_1017, %lt3A_1032 : vector<16xi32>
        %or3A_1034 = arith.ori %gt3A_1030, %lt3A_1033 : vector<16xi1>
        %jit3A_1035 = arith.constant 1000 : i32
        %broadcast_in_dim3A_1036 = vector.broadcast %jit3A_1035 : i32 to vector<16xi32>
        %select_n3A_1037 = arith.select %or3A_1034, %broadcast_in_dim3A_1036, %convert_element_type3A_1017 : vector<16xi1>, vector<16xi32>
        %swap3A_1038 = arith.constant 32 : index
        %swap3A_1039 = tpu.vector_load %arg10[%swap3A_1038] {strides = array<i32>} : memref<128xi32, #tpu.memory_space<vmem>>, vector<16xi32>,
        %swap3A_1040 = vector.shape_cast %swap3A_1039 : vector<16xi32> to vector<16xi32>
        %swap3A_1041 = vector.shape_cast %select_n3A_1027 : vector<16xi32> to vector<16xi32>
        tpu.vector_store %arg10[%swap3A_1038], %swap3A_1041 {strides = array<i32>} : memref<128xi32, #tpu.memory_space<vmem>>, vector<16xi32>,
        %swap3A_1042 = arith.constant 32 : index
        %swap3A_1043 = tpu.vector_load %arg12[%swap3A_1042] {strides = array<i32>} : memref<128xi32, #tpu.memory_space<vmem>>, vector<16xi32>,
        %swap3A_1044 = vector.shape_cast %swap3A_1043 : vector<16xi32> to vector<16xi32>
        %swap3A_1045 = vector.shape_cast %select_n3A_1037 : vector<16xi32> to vector<16xi32>
        tpu.vector_store %arg12[%swap3A_1042], %swap3A_1045 {strides = array<i32>} : memref<128xi32, #tpu.memory_space<vmem>>, vector<16xi32>,
        %get3A_1046 = arith.constant 48 : index
        %get3A_1047 = tpu.vector_load %arg6[%get3A_1046] {strides = array<i32>} : memref<128xf32, #tpu.memory_space<vmem>>, vector<16xf32>,
        %get3A_1048 = vector.shape_cast %get3A_1047 : vector<16xf32> to vector<16xf32>
        %get3A_1049 = arith.constant 48 : index
        %get3A_1050 = tpu.vector_load %arg8[%get3A_1049] {strides = array<i32>} : memref<128xf32, #tpu.memory_space<vmem>>, vector<16xf32>,
        %get3A_1051 = vector.shape_cast %get3A_1050 : vector<16xf32> to vector<16xf32>
        %sub3A_1052 = arith.constant 0.000000e+00 : f32
        %sub3A_1053 = vector.broadcast %sub3A_1052 : f32 to vector<16xf32>
        %sub3A_1054 = arith.subf %get3A_1048, %sub3A_1053 : vector<16xf32>
        %div3A_1055 = arith.constant 1.000000e-03 : f32
        %div3A_1056 = vector.broadcast %div3A_1055 : f32 to vector<16xf32>
        %div3A_1057 = arith.divf %sub3A_1054, %div3A_1056 : vector<16xf32>
        %convert_element_type3A_1058 = arith.fptosi %div3A_1057 : vector<16xf32> to vector<16xi32>
        %sub3A_1059 = arith.constant 0.000000e+00 : f32
        %sub3A_1060 = vector.broadcast %sub3A_1059 : f32 to vector<16xf32>
        %sub3A_1061 = arith.subf %get3A_1051, %sub3A_1060 : vector<16xf32>
        %div3A_1062 = arith.constant 1.000000e-03 : f32
        %div3A_1063 = vector.broadcast %div3A_1062 : f32 to vector<16xf32>
        %div3A_1064 = arith.divf %sub3A_1061, %div3A_1063 : vector<16xf32>
        %convert_element_type3A_1065 = arith.fptosi %div3A_1064 : vector<16xf32> to vector<16xi32>
        %gt3A_1066 = arith.constant 1000 : i32
        %gt3A_1067 = vector.broadcast %gt3A_1066 : i32 to vector<16xi32>
        %gt3A_1068 = arith.cmpi sgt, %convert_element_type3A_1058, %gt3A_1067 : vector<16xi32>
        %lt3A_1069 = arith.constant 0 : i32
        %lt3A_1070 = vector.broadcast %lt3A_1069 : i32 to vector<16xi32>
        %lt3A_1071 = arith.cmpi slt, %convert_element_type3A_1058, %lt3A_1070 : vector<16xi32>
        %or3A_1072 = arith.ori %gt3A_1068, %lt3A_1071 : vector<16xi1>
        %jit3A_1073 = arith.constant 1000 : i32
        %broadcast_in_dim3A_1074 = vector.broadcast %jit3A_1073 : i32 to vector<16xi32>
        %select_n3A_1075 = arith.select %or3A_1072, %broadcast_in_dim3A_1074, %convert_element_type3A_1058 : vector<16xi1>, vector<16xi32>
        %gt3A_1076 = arith.constant 1000 : i32
        %gt3A_1077 = vector.broadcast %gt3A_1076 : i32 to vector<16xi32>
        %gt3A_1078 = arith.cmpi sgt, %convert_element_type3A_1065, %gt3A_1077 : vector<16xi32>
        %lt3A_1079 = arith.constant 0 : i32
        %lt3A_1080 = vector.broadcast %lt3A_1079 : i32 to vector<16xi32>
        %lt3A_1081 = arith.cmpi slt, %convert_element_type3A_1065, %lt3A_1080 : vector<16xi32>
        %or3A_1082 = arith.ori %gt3A_1078, %lt3A_1081 : vector<16xi1>
        %jit3A_1083 = arith.constant 1000 : i32
        %broadcast_in_dim3A_1084 = vector.broadcast %jit3A_1083 : i32 to vector<16xi32>
        %select_n3A_1085 = arith.select %or3A_1082, %broadcast_in_dim3A_1084, %convert_element_type3A_1065 : vector<16xi1>, vector<16xi32>
        %swap3A_1086 = arith.constant 48 : index
        %swap3A_1087 = tpu.vector_load %arg10[%swap3A_1086] {strides = array<i32>} : memref<128xi32, #tpu.memory_space<vmem>>, vector<16xi32>,
        %swap3A_1088 = vector.shape_cast %swap3A_1087 : vector<16xi32> to vector<16xi32>
        %swap3A_1089 = vector.shape_cast %select_n3A_1075 : vector<16xi32> to vector<16xi32>
        tpu.vector_store %arg10[%swap3A_1086], %swap3A_1089 {strides = array<i32>} : memref<128xi32, #tpu.memory_space<vmem>>, vector<16xi32>,
        %swap3A_1090 = arith.constant 48 : index
        %swap3A_1091 = tpu.vector_load %arg12[%swap3A_1090] {strides = array<i32>} : memref<128xi32, #tpu.memory_space<vmem>>, vector<16xi32>,
        %swap3A_1092 = vector.shape_cast %swap3A_1091 : vector<16xi32> to vector<16xi32>
        %swap3A_1093 = vector.shape_cast %select_n3A_1085 : vector<16xi32> to vector<16xi32>
        tpu.vector_store %arg12[%swap3A_1090], %swap3A_1093 {strides = array<i32>} : memref<128xi32, #tpu.memory_space<vmem>>, vector<16xi32>,
        %get3A_1094 = arith.constant 64 : index
        %get3A_1095 = tpu.vector_load %arg6[%get3A_1094] {strides = array<i32>} : memref<128xf32, #tpu.memory_space<vmem>>, vector<16xf32>,
        %get3A_1096 = vector.shape_cast %get3A_1095 : vector<16xf32> to vector<16xf32>
        %get3A_1097 = arith.constant 64 : index
        %get3A_1098 = tpu.vector_load %arg8[%get3A_1097] {strides = array<i32>} : memref<128xf32, #tpu.memory_space<vmem>>, vector<16xf32>,
        %get3A_1099 = vector.shape_cast %get3A_1098 : vector<16xf32> to vector<16xf32>
        %sub3A_1100 = arith.constant 0.000000e+00 : f32
        %sub3A_1101 = vector.broadcast %sub3A_1100 : f32 to vector<16xf32>
        %sub3A_1102 = arith.subf %get3A_1096, %sub3A_1101 : vector<16xf32>
        %div3A_1103 = arith.constant 1.000000e-03 : f32
        %div3A_1104 = vector.broadcast %div3A_1103 : f32 to vector<16xf32>
        %div3A_1105 = arith.divf %sub3A_1102, %div3A_1104 : vector<16xf32>
        %convert_element_type3A_1106 = arith.fptosi %div3A_1105 : vector<16xf32> to vector<16xi32>
        %sub3A_1107 = arith.constant 0.000000e+00 : f32
        %sub3A_1108 = vector.broadcast %sub3A_1107 : f32 to vector<16xf32>
        %sub3A_1109 = arith.subf %get3A_1099, %sub3A_1108 : vector<16xf32>
        %div3A_1110 = arith.constant 1.000000e-03 : f32
        %div3A_1111 = vector.broadcast %div3A_1110 : f32 to vector<16xf32>
        %div3A_1112 = arith.divf %sub3A_1109, %div3A_1111 : vector<16xf32>
        %convert_element_type3A_1113 = arith.fptosi %div3A_1112 : vector<16xf32> to vector<16xi32>
        %gt3A_1114 = arith.constant 1000 : i32
        %gt3A_1115 = vector.broadcast %gt3A_1114 : i32 to vector<16xi32>
        %gt3A_1116 = arith.cmpi sgt, %convert_element_type3A_1106, %gt3A_1115 : vector<16xi32>
        %lt3A_1117 = arith.constant 0 : i32
        %lt3A_1118 = vector.broadcast %lt3A_1117 : i32 to vector<16xi32>
        %lt3A_1119 = arith.cmpi slt, %convert_element_type3A_1106, %lt3A_1118 : vector<16xi32>
        %or3A_1120 = arith.ori %gt3A_1116, %lt3A_1119 : vector<16xi1>
        %jit3A_1121 = arith.constant 1000 : i32
        %broadcast_in_dim3A_1122 = vector.broadcast %jit3A_1121 : i32 to vector<16xi32>
        %select_n3A_1123 = arith.select %or3A_1120, %broadcast_in_dim3A_1122, %convert_element_type3A_1106 : vector<16xi1>, vector<16xi32>
        %gt3A_1124 = arith.constant 1000 : i32
        %gt3A_1125 = vector.broadcast %gt3A_1124 : i32 to vector<16xi32>
        %gt3A_1126 = arith.cmpi sgt, %convert_element_type3A_1113, %gt3A_1125 : vector<16xi32>
        %lt3A_1127 = arith.constant 0 : i32
        %lt3A_1128 = vector.broadcast %lt3A_1127 : i32 to vector<16xi32>
        %lt3A_1129 = arith.cmpi slt, %convert_element_type3A_1113, %lt3A_1128 : vector<16xi32>
        %or3A_1130 = arith.ori %gt3A_1126, %lt3A_1129 : vector<16xi1>
        %jit3A_1131 = arith.constant 1000 : i32
        %broadcast_in_dim3A_1132 = vector.broadcast %jit3A_1131 : i32 to vector<16xi32>
        %select_n3A_1133 = arith.select %or3A_1130, %broadcast_in_dim3A_1132, %convert_element_type3A_1113 : vector<16xi1>, vector<16xi32>
        %swap3A_1134 = arith.constant 64 : index
        %swap3A_1135 = tpu.vector_load %arg10[%swap3A_1134] {strides = array<i32>} : memref<128xi32, #tpu.memory_space<vmem>>, vector<16xi32>,
        %swap3A_1136 = vector.shape_cast %swap3A_1135 : vector<16xi32> to vector<16xi32>
        %swap3A_1137 = vector.shape_cast %select_n3A_1123 : vector<16xi32> to vector<16xi32>
        tpu.vector_store %arg10[%swap3A_1134], %swap3A_1137 {strides = array<i32>} : memref<128xi32, #tpu.memory_space<vmem>>, vector<16xi32>,
        %swap3A_1138 = arith.constant 64 : index
        %swap3A_1139 = tpu.vector_load %arg12[%swap3A_1138] {strides = array<i32>} : memref<128xi32, #tpu.memory_space<vmem>>, vector<16xi32>,
        %swap3A_1140 = vector.shape_cast %swap3A_1139 : vector<16xi32> to vector<16xi32>
        %swap3A_1141 = vector.shape_cast %select_n3A_1133 : vector<16xi32> to vector<16xi32>
        tpu.vector_store %arg12[%swap3A_1138], %swap3A_1141 {strides = array<i32>} : memref<128xi32, #tpu.memory_space<vmem>>, vector<16xi32>,
        %get3A_1142 = arith.constant 80 : index
        %get3A_1143 = tpu.vector_load %arg6[%get3A_1142] {strides = array<i32>} : memref<128xf32, #tpu.memory_space<vmem>>, vector<16xf32>,
        %get3A_1144 = vector.shape_cast %get3A_1143 : vector<16xf32> to vector<16xf32>
        %get3A_1145 = arith.constant 80 : index
        %get3A_1146 = tpu.vector_load %arg8[%get3A_1145] {strides = array<i32>} : memref<128xf32, #tpu.memory_space<vmem>>, vector<16xf32>,
        %get3A_1147 = vector.shape_cast %get3A_1146 : vector<16xf32> to vector<16xf32>
        %sub3A_1148 = arith.constant 0.000000e+00 : f32
        %sub3A_1149 = vector.broadcast %sub3A_1148 : f32 to vector<16xf32>
        %sub3A_1150 = arith.subf %get3A_1144, %sub3A_1149 : vector<16xf32>
        %div3A_1151 = arith.constant 1.000000e-03 : f32
        %div3A_1152 = vector.broadcast %div3A_1151 : f32 to vector<16xf32>
        %div3A_1153 = arith.divf %sub3A_1150, %div3A_1152 : vector<16xf32>
        %convert_element_type3A_1154 = arith.fptosi %div3A_1153 : vector<16xf32> to vector<16xi32>
        %sub3A_1155 = arith.constant 0.000000e+00 : f32
        %sub3A_1156 = vector.broadcast %sub3A_1155 : f32 to vector<16xf32>
        %sub3A_1157 = arith.subf %get3A_1147, %sub3A_1156 : vector<16xf32>
        %div3A_1158 = arith.constant 1.000000e-03 : f32
        %div3A_1159 = vector.broadcast %div3A_1158 : f32 to vector<16xf32>
        %div3A_1160 = arith.divf %sub3A_1157, %div3A_1159 : vector<16xf32>
        %convert_element_type3A_1161 = arith.fptosi %div3A_1160 : vector<16xf32> to vector<16xi32>
        %gt3A_1162 = arith.constant 1000 : i32
        %gt3A_1163 = vector.broadcast %gt3A_1162 : i32 to vector<16xi32>
        %gt3A_1164 = arith.cmpi sgt, %convert_element_type3A_1154, %gt3A_1163 : vector<16xi32>
        %lt3A_1165 = arith.constant 0 : i32
        %lt3A_1166 = vector.broadcast %lt3A_1165 : i32 to vector<16xi32>
        %lt3A_1167 = arith.cmpi slt, %convert_element_type3A_1154, %lt3A_1166 : vector<16xi32>
        %or3A_1168 = arith.ori %gt3A_1164, %lt3A_1167 : vector<16xi1>
        %jit3A_1169 = arith.constant 1000 : i32
        %broadcast_in_dim3A_1170 = vector.broadcast %jit3A_1169 : i32 to vector<16xi32>
        %select_n3A_1171 = arith.select %or3A_1168, %broadcast_in_dim3A_1170, %convert_element_type3A_1154 : vector<16xi1>, vector<16xi32>
        %gt3A_1172 = arith.constant 1000 : i32
        %gt3A_1173 = vector.broadcast %gt3A_1172 : i32 to vector<16xi32>
        %gt3A_1174 = arith.cmpi sgt, %convert_element_type3A_1161, %gt3A_1173 : vector<16xi32>
        %lt3A_1175 = arith.constant 0 : i32
        %lt3A_1176 = vector.broadcast %lt3A_1175 : i32 to vector<16xi32>
        %lt3A_1177 = arith.cmpi slt, %convert_element_type3A_1161, %lt3A_1176 : vector<16xi32>
        %or3A_1178 = arith.ori %gt3A_1174, %lt3A_1177 : vector<16xi1>
        %jit3A_1179 = arith.constant 1000 : i32
        %broadcast_in_dim3A_1180 = vector.broadcast %jit3A_1179 : i32 to vector<16xi32>
        %select_n3A_1181 = arith.select %or3A_1178, %broadcast_in_dim3A_1180, %convert_element_type3A_1161 : vector<16xi1>, vector<16xi32>
        %swap3A_1182 = arith.constant 80 : index
        %swap3A_1183 = tpu.vector_load %arg10[%swap3A_1182] {strides = array<i32>} : memref<128xi32, #tpu.memory_space<vmem>>, vector<16xi32>,
        %swap3A_1184 = vector.shape_cast %swap3A_1183 : vector<16xi32> to vector<16xi32>
        %swap3A_1185 = vector.shape_cast %select_n3A_1171 : vector<16xi32> to vector<16xi32>
        tpu.vector_store %arg10[%swap3A_1182], %swap3A_1185 {strides = array<i32>} : memref<128xi32, #tpu.memory_space<vmem>>, vector<16xi32>,
        %swap3A_1186 = arith.constant 80 : index
        %swap3A_1187 = tpu.vector_load %arg12[%swap3A_1186] {strides = array<i32>} : memref<128xi32, #tpu.memory_space<vmem>>, vector<16xi32>,
        %swap3A_1188 = vector.shape_cast %swap3A_1187 : vector<16xi32> to vector<16xi32>
        %swap3A_1189 = vector.shape_cast %select_n3A_1181 : vector<16xi32> to vector<16xi32>
        tpu.vector_store %arg12[%swap3A_1186], %swap3A_1189 {strides = array<i32>} : memref<128xi32, #tpu.memory_space<vmem>>, vector<16xi32>,
        %get3A_1190 = arith.constant 96 : index
        %get3A_1191 = tpu.vector_load %arg6[%get3A_1190] {strides = array<i32>} : memref<128xf32, #tpu.memory_space<vmem>>, vector<16xf32>,
        %get3A_1192 = vector.shape_cast %get3A_1191 : vector<16xf32> to vector<16xf32>
        %get3A_1193 = arith.constant 96 : index
        %get3A_1194 = tpu.vector_load %arg8[%get3A_1193] {strides = array<i32>} : memref<128xf32, #tpu.memory_space<vmem>>, vector<16xf32>,
        %get3A_1195 = vector.shape_cast %get3A_1194 : vector<16xf32> to vector<16xf32>
        %sub3A_1196 = arith.constant 0.000000e+00 : f32
        %sub3A_1197 = vector.broadcast %sub3A_1196 : f32 to vector<16xf32>
        %sub3A_1198 = arith.subf %get3A_1192, %sub3A_1197 : vector<16xf32>
        %div3A_1199 = arith.constant 1.000000e-03 : f32
        %div3A_1200 = vector.broadcast %div3A_1199 : f32 to vector<16xf32>
        %div3A_1201 = arith.divf %sub3A_1198, %div3A_1200 : vector<16xf32>
        %convert_element_type3A_1202 = arith.fptosi %div3A_1201 : vector<16xf32> to vector<16xi32>
        %sub3A_1203 = arith.constant 0.000000e+00 : f32
        %sub3A_1204 = vector.broadcast %sub3A_1203 : f32 to vector<16xf32>
        %sub3A_1205 = arith.subf %get3A_1195, %sub3A_1204 : vector<16xf32>
        %div3A_1206 = arith.constant 1.000000e-03 : f32
        %div3A_1207 = vector.broadcast %div3A_1206 : f32 to vector<16xf32>
        %div3A_1208 = arith.divf %sub3A_1205, %div3A_1207 : vector<16xf32>
        %convert_element_type3A_1209 = arith.fptosi %div3A_1208 : vector<16xf32> to vector<16xi32>
        %gt3A_1210 = arith.constant 1000 : i32
        %gt3A_1211 = vector.broadcast %gt3A_1210 : i32 to vector<16xi32>
        %gt3A_1212 = arith.cmpi sgt, %convert_element_type3A_1202, %gt3A_1211 : vector<16xi32>
        %lt3A_1213 = arith.constant 0 : i32
        %lt3A_1214 = vector.broadcast %lt3A_1213 : i32 to vector<16xi32>
        %lt3A_1215 = arith.cmpi slt, %convert_element_type3A_1202, %lt3A_1214 : vector<16xi32>
        %or3A_1216 = arith.ori %gt3A_1212, %lt3A_1215 : vector<16xi1>
        %jit3A_1217 = arith.constant 1000 : i32
        %broadcast_in_dim3A_1218 = vector.broadcast %jit3A_1217 : i32 to vector<16xi32>
        %select_n3A_1219 = arith.select %or3A_1216, %broadcast_in_dim3A_1218, %convert_element_type3A_1202 : vector<16xi1>, vector<16xi32>
        %gt3A_1220 = arith.constant 1000 : i32
        %gt3A_1221 = vector.broadcast %gt3A_1220 : i32 to vector<16xi32>
        %gt3A_1222 = arith.cmpi sgt, %convert_element_type3A_1209, %gt3A_1221 : vector<16xi32>
        %lt3A_1223 = arith.constant 0 : i32
        %lt3A_1224 = vector.broadcast %lt3A_1223 : i32 to vector<16xi32>
        %lt3A_1225 = arith.cmpi slt, %convert_element_type3A_1209, %lt3A_1224 : vector<16xi32>
        %or3A_1226 = arith.ori %gt3A_1222, %lt3A_1225 : vector<16xi1>
        %jit3A_1227 = arith.constant 1000 : i32
        %broadcast_in_dim3A_1228 = vector.broadcast %jit3A_1227 : i32 to vector<16xi32>
        %select_n3A_1229 = arith.select %or3A_1226, %broadcast_in_dim3A_1228, %convert_element_type3A_1209 : vector<16xi1>, vector<16xi32>
        %swap3A_1230 = arith.constant 96 : index
        %swap3A_1231 = tpu.vector_load %arg10[%swap3A_1230] {strides = array<i32>} : memref<128xi32, #tpu.memory_space<vmem>>, vector<16xi32>,
        %swap3A_1232 = vector.shape_cast %swap3A_1231 : vector<16xi32> to vector<16xi32>
        %swap3A_1233 = vector.shape_cast %select_n3A_1219 : vector<16xi32> to vector<16xi32>
        tpu.vector_store %arg10[%swap3A_1230], %swap3A_1233 {strides = array<i32>} : memref<128xi32, #tpu.memory_space<vmem>>, vector<16xi32>,
        %swap3A_1234 = arith.constant 96 : index
        %swap3A_1235 = tpu.vector_load %arg12[%swap3A_1234] {strides = array<i32>} : memref<128xi32, #tpu.memory_space<vmem>>, vector<16xi32>,
        %swap3A_1236 = vector.shape_cast %swap3A_1235 : vector<16xi32> to vector<16xi32>
        %swap3A_1237 = vector.shape_cast %select_n3A_1229 : vector<16xi32> to vector<16xi32>
        tpu.vector_store %arg12[%swap3A_1234], %swap3A_1237 {strides = array<i32>} : memref<128xi32, #tpu.memory_space<vmem>>, vector<16xi32>,
        %get3A_1238 = arith.constant 112 : index
        %get3A_1239 = tpu.vector_load %arg6[%get3A_1238] {strides = array<i32>} : memref<128xf32, #tpu.memory_space<vmem>>, vector<16xf32>,
        %get3A_1240 = vector.shape_cast %get3A_1239 : vector<16xf32> to vector<16xf32>
        %get3A_1241 = arith.constant 112 : index
        %get3A_1242 = tpu.vector_load %arg8[%get3A_1241] {strides = array<i32>} : memref<128xf32, #tpu.memory_space<vmem>>, vector<16xf32>,
        %get3A_1243 = vector.shape_cast %get3A_1242 : vector<16xf32> to vector<16xf32>
        %sub3A_1244 = arith.constant 0.000000e+00 : f32
        %sub3A_1245 = vector.broadcast %sub3A_1244 : f32 to vector<16xf32>
        %sub3A_1246 = arith.subf %get3A_1240, %sub3A_1245 : vector<16xf32>
        %div3A_1247 = arith.constant 1.000000e-03 : f32
        %div3A_1248 = vector.broadcast %div3A_1247 : f32 to vector<16xf32>
        %div3A_1249 = arith.divf %sub3A_1246, %div3A_1248 : vector<16xf32>
        %convert_element_type3A_1250 = arith.fptosi %div3A_1249 : vector<16xf32> to vector<16xi32>
        %sub3A_1251 = arith.constant 0.000000e+00 : f32
        %sub3A_1252 = vector.broadcast %sub3A_1251 : f32 to vector<16xf32>
        %sub3A_1253 = arith.subf %get3A_1243, %sub3A_1252 : vector<16xf32>
        %div3A_1254 = arith.constant 1.000000e-03 : f32
        %div3A_1255 = vector.broadcast %div3A_1254 : f32 to vector<16xf32>
        %div3A_1256 = arith.divf %sub3A_1253, %div3A_1255 : vector<16xf32>
        %convert_element_type3A_1257 = arith.fptosi %div3A_1256 : vector<16xf32> to vector<16xi32>
        %gt3A_1258 = arith.constant 1000 : i32
        %gt3A_1259 = vector.broadcast %gt3A_1258 : i32 to vector<16xi32>
        %gt3A_1260 = arith.cmpi sgt, %convert_element_type3A_1250, %gt3A_1259 : vector<16xi32>
        %lt3A_1261 = arith.constant 0 : i32
        %lt3A_1262 = vector.broadcast %lt3A_1261 : i32 to vector<16xi32>
        %lt3A_1263 = arith.cmpi slt, %convert_element_type3A_1250, %lt3A_1262 : vector<16xi32>
        %or3A_1264 = arith.ori %gt3A_1260, %lt3A_1263 : vector<16xi1>
        %jit3A_1265 = arith.constant 1000 : i32
        %broadcast_in_dim3A_1266 = vector.broadcast %jit3A_1265 : i32 to vector<16xi32>
        %select_n3A_1267 = arith.select %or3A_1264, %broadcast_in_dim3A_1266, %convert_element_type3A_1250 : vector<16xi1>, vector<16xi32>
        %gt3A_1268 = arith.constant 1000 : i32
        %gt3A_1269 = vector.broadcast %gt3A_1268 : i32 to vector<16xi32>
        %gt3A_1270 = arith.cmpi sgt, %convert_element_type3A_1257, %gt3A_1269 : vector<16xi32>
        %lt3A_1271 = arith.constant 0 : i32
        %lt3A_1272 = vector.broadcast %lt3A_1271 : i32 to vector<16xi32>
        %lt3A_1273 = arith.cmpi slt, %convert_element_type3A_1257, %lt3A_1272 : vector<16xi32>
        %or3A_1274 = arith.ori %gt3A_1270, %lt3A_1273 : vector<16xi1>
        %jit3A_1275 = arith.constant 1000 : i32
        %broadcast_in_dim3A_1276 = vector.broadcast %jit3A_1275 : i32 to vector<16xi32>
        %select_n3A_1277 = arith.select %or3A_1274, %broadcast_in_dim3A_1276, %convert_element_type3A_1257 : vector<16xi1>, vector<16xi32>
        %swap3A_1278 = arith.constant 112 : index
        %swap3A_1279 = tpu.vector_load %arg10[%swap3A_1278] {strides = array<i32>} : memref<128xi32, #tpu.memory_space<vmem>>, vector<16xi32>,
        %swap3A_1280 = vector.shape_cast %swap3A_1279 : vector<16xi32> to vector<16xi32>
        %swap3A_1281 = vector.shape_cast %select_n3A_1267 : vector<16xi32> to vector<16xi32>
        tpu.vector_store %arg10[%swap3A_1278], %swap3A_1281 {strides = array<i32>} : memref<128xi32, #tpu.memory_space<vmem>>, vector<16xi32>,
        %swap3A_1282 = arith.constant 112 : index
        %swap3A_1283 = tpu.vector_load %arg12[%swap3A_1282] {strides = array<i32>} : memref<128xi32, #tpu.memory_space<vmem>>, vector<16xi32>,
        %swap3A_1284 = vector.shape_cast %swap3A_1283 : vector<16xi32> to vector<16xi32>
        %swap3A_1285 = vector.shape_cast %select_n3A_1277 : vector<16xi32> to vector<16xi32>
        tpu.vector_store %arg12[%swap3A_1282], %swap3A_1285 {strides = array<i32>} : memref<128xi32, #tpu.memory_space<vmem>>, vector<16xi32>,
        %dma_start3A_1286 = arith.constant 0 : i32
        %dma_start3A_1287 = arith.constant 0 : i32
        %dma_start3A_1288 = tpu.memref_slice %arg26[%dma_start3A_1286, %dma_start3A_1287] : memref<1001x128xf32, #tpu.memory_space<vmem_shared>> -> memref<1001x128xf32, #tpu.memory_space<vmem_shared>>
        tpu.enqueue_indirect_dma source(%dma_start3A_1288 : memref<1001x128xf32, #tpu.memory_space<vmem_shared>>) target(%arg14 : memref<128x128xf32, #tpu.memory_space<vmem>>) offsets(%arg10 : memref<128xi32, #tpu.memory_space<vmem>>) semaphore(%arg22 : memref<!tpu.dma_semaphore, #tpu.memory_space<semaphore_mem>>)
        %dma_start3A_1289 = arith.constant 0 : i32
        %dma_start3A_1290 = arith.constant 0 : i32
        %dma_start3A_1291 = tpu.memref_slice %arg26[%dma_start3A_1289, %dma_start3A_1290] : memref<1001x128xf32, #tpu.memory_space<vmem_shared>> -> memref<1001x128xf32, #tpu.memory_space<vmem_shared>>
        tpu.enqueue_indirect_dma source(%dma_start3A_1291 : memref<1001x128xf32, #tpu.memory_space<vmem_shared>>) target(%arg16 : memref<128x128xf32, #tpu.memory_space<vmem>>) offsets(%arg12 : memref<128xi32, #tpu.memory_space<vmem>>) semaphore(%arg22 : memref<!tpu.dma_semaphore, #tpu.memory_space<semaphore_mem>>)
        %add3A_1292 = arith.constant 2 : i32
        %add3A_1293 = arith.addi %add3A_901, %add3A_1292 : i32
        %lt3A_1294 = arith.constant 200 : i32
        %lt3A_1295 = arith.cmpi slt, %add3A_1293, %lt3A_1294 : i32
        %convert_element_type3A_1296 = arith.extui %lt3A_1295 : i1 to i32
        %cond3A_1297 = arith.constant 0 : i32
        %cond3A_1298 = arith.cmpi ne, %convert_element_type3A_1296, %cond3A_1297 : i32
        scf.if %cond3A_1298 {
          %add3A_1299 = arith.constant 2 : i32
          %add3A_1300 = arith.addi %add3A_901, %add3A_1299 : i32
          %mul3A_1301 = arith.constant 128 : i32
          %mul3A_1302 = arith.muli %add3A_1300, %mul3A_1301 : i32
          %add3A_1303 = arith.addi %mul3A_2, %mul3A_1302 : i32
          %dma_start3A_1304 = tpu.memref_slice %arg2[%add3A_1303] : memref<819200xf32, #tpu.memory_space<hbm>> -> memref<128xf32, #tpu.memory_space<hbm>>
          %dma_start3A_1305 = tpu.memref_slice %arg2[%add3A_1303] : memref<819200xf32, #tpu.memory_space<hbm>> -> memref<128xf32, #tpu.memory_space<hbm>>
          tpu.enqueue_dma source(%dma_start3A_1305 : memref<128xf32, #tpu.memory_space<hbm>>) target(%arg6 : memref<128xf32, #tpu.memory_space<vmem>>) target_semaphore(%arg20 : memref<!tpu.dma_semaphore, #tpu.memory_space<semaphore_mem>>)
          %dma_start3A_1306 = tpu.memref_slice %arg3[%add3A_1303] : memref<819200xf32, #tpu.memory_space<hbm>> -> memref<128xf32, #tpu.memory_space<hbm>>
          %dma_start3A_1307 = tpu.memref_slice %arg3[%add3A_1303] : memref<819200xf32, #tpu.memory_space<hbm>> -> memref<128xf32, #tpu.memory_space<hbm>>
          tpu.enqueue_dma source(%dma_start3A_1307 : memref<128xf32, #tpu.memory_space<hbm>>) target(%arg8 : memref<128xf32, #tpu.memory_space<vmem>>) target_semaphore(%arg20 : memref<!tpu.dma_semaphore, #tpu.memory_space<semaphore_mem>>)
        } else {
        }
      } else {
      }
      %add3A_866 = arith.constant 1 : i32
      %add3A_867 = arith.addi %mul3A_428, %add3A_866 : i32
      %ge3A_868 = arith.constant 2 : i32
      %ge3A_869 = arith.cmpi sge, %add3A_867, %ge3A_868 : i32
      %convert_element_type3A_870 = arith.extui %ge3A_869 : i1 to i32
      %cond3A_871 = arith.constant 0 : i32
      %cond3A_872 = arith.cmpi ne, %convert_element_type3A_870, %cond3A_871 : i32
      scf.if %cond3A_872 {
        %dma_wait3A_892 = arith.constant 0 : i32
        %dma_wait3A_893 = arith.constant 0 : i32
        %dma_wait3A_894 = tpu.memref_slice %arg5[%dma_wait3A_892, %dma_wait3A_893] : memref<819200x64xf32, #tpu.memory_space<hbm>> -> memref<128x64xf32, #tpu.memory_space<hbm>>
        %dma_wait3A_895 = arith.constant 0 : i32
        %dma_wait3A_896 = arith.constant 0 : i32
        %dma_wait3A_897 = tpu.memref_slice %arg5[%dma_wait3A_895, %dma_wait3A_896] : memref<819200x64xf32, #tpu.memory_space<hbm>> -> memref<128x64xf32, #tpu.memory_space<hbm>>
        tpu.wait_dma2 semaphore(%arg25 : memref<!tpu.dma_semaphore, #tpu.memory_space<semaphore_mem>>) src(%arg19 : memref<128x64xf32, #tpu.memory_space<vmem>>) dst(%dma_wait3A_897 : memref<128x64xf32, #tpu.memory_space<hbm>>)
      } else {
      }
      %dma_wait3A_873 = arith.constant 0 : i32
      %dma_wait3A_874 = arith.constant 0 : i32
      %dma_wait3A_875 = tpu.memref_slice %arg26[%dma_wait3A_873, %dma_wait3A_874] : memref<1001x128xf32, #tpu.memory_space<vmem_shared>> -> memref<1001x128xf32, #tpu.memory_space<vmem_shared>>
      tpu.wait_indirect_dma semaphore(%arg23 : memref<!tpu.dma_semaphore, #tpu.memory_space<semaphore_mem>>) src(%dma_wait3A_875 : memref<1001x128xf32, #tpu.memory_space<vmem_shared>>) dst(%arg15 : memref<128x128xf32, #tpu.memory_space<vmem>>)
      %dma_wait3A_876 = arith.constant 0 : i32
      %dma_wait3A_877 = arith.constant 0 : i32
      %dma_wait3A_878 = tpu.memref_slice %arg26[%dma_wait3A_876, %dma_wait3A_877] : memref<1001x128xf32, #tpu.memory_space<vmem_shared>> -> memref<1001x128xf32, #tpu.memory_space<vmem_shared>>
      tpu.wait_indirect_dma semaphore(%arg23 : memref<!tpu.dma_semaphore, #tpu.memory_space<semaphore_mem>>) src(%dma_wait3A_878 : memref<1001x128xf32, #tpu.memory_space<vmem_shared>>) dst(%arg17 : memref<128x128xf32, #tpu.memory_space<vmem>>)
      %scan3A_879 = arith.constant 0 : i32
      %scan3A_880 = arith.constant 0 : i32
      %scan3A_881 = arith.constant 64 : i32
      %scan3A_882 = arith.addi %scan3A_880, %scan3A_881 : i32
      %scan3A_883 = arith.constant 1 : i32
      scf.for %scan3A_892 = %scan3A_880 to %scan3A_882 step %scan3A_883  : i32 {
        %mul3A_893 = arith.constant 2 : i32
        %mul3A_894 = arith.muli %mul3A_893, %scan3A_892 : i32
        %add3A_895 = arith.constant 0 : i32
        %add3A_896 = arith.addi %mul3A_894, %add3A_895 : i32
        %get3A_897 = arith.index_cast %add3A_896 : i32 to index
        %get3A_898 = arith.constant 0 : index
        %get3A_899 = tpu.vector_load %arg15[%get3A_897, %get3A_898] {strides = array<i32>} : memref<128x128xf32, #tpu.memory_space<vmem>>, vector<1x16xf32>,
        %get3A_900 = vector.shape_cast %get3A_899 : vector<1x16xf32> to vector<16xf32>
        %get3A_901 = arith.index_cast %add3A_896 : i32 to index
        %get3A_902 = arith.constant 64 : index
        %get3A_903 = tpu.vector_load %arg17[%get3A_901, %get3A_902] {strides = array<i32>} : memref<128x128xf32, #tpu.memory_space<vmem>>, vector<1x16xf32>,
        %get3A_904 = vector.shape_cast %get3A_903 : vector<1x16xf32> to vector<16xf32>
        %add3A_905 = arith.addf %get3A_900, %get3A_904 : vector<16xf32>
        %swap3A_906 = arith.index_cast %add3A_896 : i32 to index
        %swap3A_907 = arith.constant 0 : index
        %swap3A_908 = tpu.vector_load %arg19[%swap3A_906, %swap3A_907] {strides = array<i32>} : memref<128x64xf32, #tpu.memory_space<vmem>>, vector<1x16xf32>,
        %swap3A_909 = vector.shape_cast %swap3A_908 : vector<1x16xf32> to vector<16xf32>
        %swap3A_910 = vector.shape_cast %add3A_905 : vector<16xf32> to vector<1x16xf32>
        tpu.vector_store %arg19[%swap3A_906, %swap3A_907], %swap3A_910 {strides = array<i32>} : memref<128x64xf32, #tpu.memory_space<vmem>>, vector<1x16xf32>,
        %get3A_911 = arith.index_cast %add3A_896 : i32 to index
        %get3A_912 = arith.constant 16 : index
        %get3A_913 = tpu.vector_load %arg15[%get3A_911, %get3A_912] {strides = array<i32>} : memref<128x128xf32, #tpu.memory_space<vmem>>, vector<1x16xf32>,
        %get3A_914 = vector.shape_cast %get3A_913 : vector<1x16xf32> to vector<16xf32>
        %get3A_915 = arith.index_cast %add3A_896 : i32 to index
        %get3A_916 = arith.constant 80 : index
        %get3A_917 = tpu.vector_load %arg17[%get3A_915, %get3A_916] {strides = array<i32>} : memref<128x128xf32, #tpu.memory_space<vmem>>, vector<1x16xf32>,
        %get3A_918 = vector.shape_cast %get3A_917 : vector<1x16xf32> to vector<16xf32>
        %add3A_919 = arith.addf %get3A_914, %get3A_918 : vector<16xf32>
        %swap3A_920 = arith.index_cast %add3A_896 : i32 to index
        %swap3A_921 = arith.constant 16 : index
        %swap3A_922 = tpu.vector_load %arg19[%swap3A_920, %swap3A_921] {strides = array<i32>} : memref<128x64xf32, #tpu.memory_space<vmem>>, vector<1x16xf32>,
        %swap3A_923 = vector.shape_cast %swap3A_922 : vector<1x16xf32> to vector<16xf32>
        %swap3A_924 = vector.shape_cast %add3A_919 : vector<16xf32> to vector<1x16xf32>
        tpu.vector_store %arg19[%swap3A_920, %swap3A_921], %swap3A_924 {strides = array<i32>} : memref<128x64xf32, #tpu.memory_space<vmem>>, vector<1x16xf32>,
        %get3A_925 = arith.index_cast %add3A_896 : i32 to index
        %get3A_926 = arith.constant 32 : index
        %get3A_927 = tpu.vector_load %arg15[%get3A_925, %get3A_926] {strides = array<i32>} : memref<128x128xf32, #tpu.memory_space<vmem>>, vector<1x16xf32>,
        %get3A_928 = vector.shape_cast %get3A_927 : vector<1x16xf32> to vector<16xf32>
        %get3A_929 = arith.index_cast %add3A_896 : i32 to index
        %get3A_930 = arith.constant 96 : index
        %get3A_931 = tpu.vector_load %arg17[%get3A_929, %get3A_930] {strides = array<i32>} : memref<128x128xf32, #tpu.memory_space<vmem>>, vector<1x16xf32>,
        %get3A_932 = vector.shape_cast %get3A_931 : vector<1x16xf32> to vector<16xf32>
        %add3A_933 = arith.addf %get3A_928, %get3A_932 : vector<16xf32>
        %swap3A_934 = arith.index_cast %add3A_896 : i32 to index
        %swap3A_935 = arith.constant 32 : index
        %swap3A_936 = tpu.vector_load %arg19[%swap3A_934, %swap3A_935] {strides = array<i32>} : memref<128x64xf32, #tpu.memory_space<vmem>>, vector<1x16xf32>,
        %swap3A_937 = vector.shape_cast %swap3A_936 : vector<1x16xf32> to vector<16xf32>
        %swap3A_938 = vector.shape_cast %add3A_933 : vector<16xf32> to vector<1x16xf32>
        tpu.vector_store %arg19[%swap3A_934, %swap3A_935], %swap3A_938 {strides = array<i32>} : memref<128x64xf32, #tpu.memory_space<vmem>>, vector<1x16xf32>,
        %get3A_939 = arith.index_cast %add3A_896 : i32 to index
        %get3A_940 = arith.constant 48 : index
        %get3A_941 = tpu.vector_load %arg15[%get3A_939, %get3A_940] {strides = array<i32>} : memref<128x128xf32, #tpu.memory_space<vmem>>, vector<1x16xf32>,
        %get3A_942 = vector.shape_cast %get3A_941 : vector<1x16xf32> to vector<16xf32>
        %get3A_943 = arith.index_cast %add3A_896 : i32 to index
        %get3A_944 = arith.constant 112 : index
        %get3A_945 = tpu.vector_load %arg17[%get3A_943, %get3A_944] {strides = array<i32>} : memref<128x128xf32, #tpu.memory_space<vmem>>, vector<1x16xf32>,
        %get3A_946 = vector.shape_cast %get3A_945 : vector<1x16xf32> to vector<16xf32>
        %add3A_947 = arith.addf %get3A_942, %get3A_946 : vector<16xf32>
        %swap3A_948 = arith.index_cast %add3A_896 : i32 to index
        %swap3A_949 = arith.constant 48 : index
        %swap3A_950 = tpu.vector_load %arg19[%swap3A_948, %swap3A_949] {strides = array<i32>} : memref<128x64xf32, #tpu.memory_space<vmem>>, vector<1x16xf32>,
        %swap3A_951 = vector.shape_cast %swap3A_950 : vector<1x16xf32> to vector<16xf32>
        %swap3A_952 = vector.shape_cast %add3A_947 : vector<16xf32> to vector<1x16xf32>
        tpu.vector_store %arg19[%swap3A_948, %swap3A_949], %swap3A_952 {strides = array<i32>} : memref<128x64xf32, #tpu.memory_space<vmem>>, vector<1x16xf32>,
        %mul3A_953 = arith.constant 2 : i32
        %mul3A_954 = arith.muli %mul3A_953, %scan3A_892 : i32
        %add3A_955 = arith.constant 1 : i32
        %add3A_956 = arith.addi %mul3A_954, %add3A_955 : i32
        %get3A_957 = arith.index_cast %add3A_956 : i32 to index
        %get3A_958 = arith.constant 0 : index
        %get3A_959 = tpu.vector_load %arg15[%get3A_957, %get3A_958] {strides = array<i32>} : memref<128x128xf32, #tpu.memory_space<vmem>>, vector<1x16xf32>,
        %get3A_960 = vector.shape_cast %get3A_959 : vector<1x16xf32> to vector<16xf32>
        %get3A_961 = arith.index_cast %add3A_956 : i32 to index
        %get3A_962 = arith.constant 64 : index
        %get3A_963 = tpu.vector_load %arg17[%get3A_961, %get3A_962] {strides = array<i32>} : memref<128x128xf32, #tpu.memory_space<vmem>>, vector<1x16xf32>,
        %get3A_964 = vector.shape_cast %get3A_963 : vector<1x16xf32> to vector<16xf32>
        %add3A_965 = arith.addf %get3A_960, %get3A_964 : vector<16xf32>
        %swap3A_966 = arith.index_cast %add3A_956 : i32 to index
        %swap3A_967 = arith.constant 0 : index
        %swap3A_968 = tpu.vector_load %arg19[%swap3A_966, %swap3A_967] {strides = array<i32>} : memref<128x64xf32, #tpu.memory_space<vmem>>, vector<1x16xf32>,
        %swap3A_969 = vector.shape_cast %swap3A_968 : vector<1x16xf32> to vector<16xf32>
        %swap3A_970 = vector.shape_cast %add3A_965 : vector<16xf32> to vector<1x16xf32>
        tpu.vector_store %arg19[%swap3A_966, %swap3A_967], %swap3A_970 {strides = array<i32>} : memref<128x64xf32, #tpu.memory_space<vmem>>, vector<1x16xf32>,
        %get3A_971 = arith.index_cast %add3A_956 : i32 to index
        %get3A_972 = arith.constant 16 : index
        %get3A_973 = tpu.vector_load %arg15[%get3A_971, %get3A_972] {strides = array<i32>} : memref<128x128xf32, #tpu.memory_space<vmem>>, vector<1x16xf32>,
        %get3A_974 = vector.shape_cast %get3A_973 : vector<1x16xf32> to vector<16xf32>
        %get3A_975 = arith.index_cast %add3A_956 : i32 to index
        %get3A_976 = arith.constant 80 : index
        %get3A_977 = tpu.vector_load %arg17[%get3A_975, %get3A_976] {strides = array<i32>} : memref<128x128xf32, #tpu.memory_space<vmem>>, vector<1x16xf32>,
        %get3A_978 = vector.shape_cast %get3A_977 : vector<1x16xf32> to vector<16xf32>
        %add3A_979 = arith.addf %get3A_974, %get3A_978 : vector<16xf32>
        %swap3A_980 = arith.index_cast %add3A_956 : i32 to index
        %swap3A_981 = arith.constant 16 : index
        %swap3A_982 = tpu.vector_load %arg19[%swap3A_980, %swap3A_981] {strides = array<i32>} : memref<128x64xf32, #tpu.memory_space<vmem>>, vector<1x16xf32>,
        %swap3A_983 = vector.shape_cast %swap3A_982 : vector<1x16xf32> to vector<16xf32>
        %swap3A_984 = vector.shape_cast %add3A_979 : vector<16xf32> to vector<1x16xf32>
        tpu.vector_store %arg19[%swap3A_980, %swap3A_981], %swap3A_984 {strides = array<i32>} : memref<128x64xf32, #tpu.memory_space<vmem>>, vector<1x16xf32>,
        %get3A_985 = arith.index_cast %add3A_956 : i32 to index
        %get3A_986 = arith.constant 32 : index
        %get3A_987 = tpu.vector_load %arg15[%get3A_985, %get3A_986] {strides = array<i32>} : memref<128x128xf32, #tpu.memory_space<vmem>>, vector<1x16xf32>,
        %get3A_988 = vector.shape_cast %get3A_987 : vector<1x16xf32> to vector<16xf32>
        %get3A_989 = arith.index_cast %add3A_956 : i32 to index
        %get3A_990 = arith.constant 96 : index
        %get3A_991 = tpu.vector_load %arg17[%get3A_989, %get3A_990] {strides = array<i32>} : memref<128x128xf32, #tpu.memory_space<vmem>>, vector<1x16xf32>,
        %get3A_992 = vector.shape_cast %get3A_991 : vector<1x16xf32> to vector<16xf32>
        %add3A_993 = arith.addf %get3A_988, %get3A_992 : vector<16xf32>
        %swap3A_994 = arith.index_cast %add3A_956 : i32 to index
        %swap3A_995 = arith.constant 32 : index
        %swap3A_996 = tpu.vector_load %arg19[%swap3A_994, %swap3A_995] {strides = array<i32>} : memref<128x64xf32, #tpu.memory_space<vmem>>, vector<1x16xf32>,
        %swap3A_997 = vector.shape_cast %swap3A_996 : vector<1x16xf32> to vector<16xf32>
        %swap3A_998 = vector.shape_cast %add3A_993 : vector<16xf32> to vector<1x16xf32>
        tpu.vector_store %arg19[%swap3A_994, %swap3A_995], %swap3A_998 {strides = array<i32>} : memref<128x64xf32, #tpu.memory_space<vmem>>, vector<1x16xf32>,
        %get3A_999 = arith.index_cast %add3A_956 : i32 to index
        %get3A_1000 = arith.constant 48 : index
        %get3A_1001 = tpu.vector_load %arg15[%get3A_999, %get3A_1000] {strides = array<i32>} : memref<128x128xf32, #tpu.memory_space<vmem>>, vector<1x16xf32>,
        %get3A_1002 = vector.shape_cast %get3A_1001 : vector<1x16xf32> to vector<16xf32>
        %get3A_1003 = arith.index_cast %add3A_956 : i32 to index
        %get3A_1004 = arith.constant 112 : index
        %get3A_1005 = tpu.vector_load %arg17[%get3A_1003, %get3A_1004] {strides = array<i32>} : memref<128x128xf32, #tpu.memory_space<vmem>>, vector<1x16xf32>,
        %get3A_1006 = vector.shape_cast %get3A_1005 : vector<1x16xf32> to vector<16xf32>
        %add3A_1007 = arith.addf %get3A_1002, %get3A_1006 : vector<16xf32>
        %swap3A_1008 = arith.index_cast %add3A_956 : i32 to index
        %swap3A_1009 = arith.constant 48 : index
        %swap3A_1010 = tpu.vector_load %arg19[%swap3A_1008, %swap3A_1009] {strides = array<i32>} : memref<128x64xf32, #tpu.memory_space<vmem>>, vector<1x16xf32>,
        %swap3A_1011 = vector.shape_cast %swap3A_1010 : vector<1x16xf32> to vector<16xf32>
        %swap3A_1012 = vector.shape_cast %add3A_1007 : vector<16xf32> to vector<1x16xf32>
        tpu.vector_store %arg19[%swap3A_1008, %swap3A_1009], %swap3A_1012 {strides = array<i32>} : memref<128x64xf32, #tpu.memory_space<vmem>>, vector<1x16xf32>,
      }
      %scan3A_884 = arith.constant 64 : i32
      %mul3A_885 = arith.constant 128 : i32
      %mul3A_886 = arith.muli %add3A_867, %mul3A_885 : i32
      %add3A_887 = arith.addi %mul3A_2, %mul3A_886 : i32
      %dma_start3A_888 = arith.constant 0 : i32
      %dma_start3A_889 = tpu.memref_slice %arg5[%add3A_887, %dma_start3A_888] : memref<819200x64xf32, #tpu.memory_space<hbm>> -> memref<128x64xf32, #tpu.memory_space<hbm>>
      %dma_start3A_890 = arith.constant 0 : i32
      %dma_start3A_891 = tpu.memref_slice %arg5[%add3A_887, %dma_start3A_890] : memref<819200x64xf32, #tpu.memory_space<hbm>> -> memref<128x64xf32, #tpu.memory_space<hbm>>
      tpu.enqueue_dma source(%arg19 : memref<128x64xf32, #tpu.memory_space<vmem>>) target(%dma_start3A_891 : memref<128x64xf32, #tpu.memory_space<hbm>>) target_semaphore(%arg25 : memref<!tpu.dma_semaphore, #tpu.memory_space<semaphore_mem>>)
    }
    %scan3A_413 = arith.constant 100 : i32
    %dma_wait3A_414 = arith.constant 0 : i32
    %dma_wait3A_415 = arith.constant 0 : i32
    %dma_wait3A_416 = tpu.memref_slice %arg5[%dma_wait3A_414, %dma_wait3A_415] : memref<819200x64xf32, #tpu.memory_space<hbm>> -> memref<128x64xf32, #tpu.memory_space<hbm>>
    %dma_wait3A_417 = arith.constant 0 : i32
    %dma_wait3A_418 = arith.constant 0 : i32
    %dma_wait3A_419 = tpu.memref_slice %arg5[%dma_wait3A_417, %dma_wait3A_418] : memref<819200x64xf32, #tpu.memory_space<hbm>> -> memref<128x64xf32, #tpu.memory_space<hbm>>
    tpu.wait_dma2 semaphore(%arg24 : memref<!tpu.dma_semaphore, #tpu.memory_space<semaphore_mem>>) src(%arg18 : memref<128x64xf32, #tpu.memory_space<vmem>>) dst(%dma_wait3A_419 : memref<128x64xf32, #tpu.memory_space<hbm>>)
    %dma_wait3A_420 = arith.constant 0 : i32
    %dma_wait3A_421 = arith.constant 0 : i32
    %dma_wait3A_422 = tpu.memref_slice %arg5[%dma_wait3A_420, %dma_wait3A_421] : memref<819200x64xf32, #tpu.memory_space<hbm>> -> memref<128x64xf32, #tpu.memory_space<hbm>>
    %dma_wait3A_423 = arith.constant 0 : i32
    %dma_wait3A_424 = arith.constant 0 : i32
    %dma_wait3A_425 = tpu.memref_slice %arg5[%dma_wait3A_423, %dma_wait3A_424] : memref<819200x64xf32, #tpu.memory_space<hbm>> -> memref<128x64xf32, #tpu.memory_space<hbm>>
    tpu.wait_dma2 semaphore(%arg25 : memref<!tpu.dma_semaphore, #tpu.memory_space<semaphore_mem>>) src(%arg19 : memref<128x64xf32, #tpu.memory_space<vmem>>) dst(%dma_wait3A_425 : memref<128x64xf32, #tpu.memory_space<hbm>>)
    return
  }
}

</mosaic_0001>

<sc_bundles>
// kernel: kernel.3.cloned.1.call-start
scs
__scs_entry_jumppad:
0x0: {  	(pc) =	sbr.rel $0x88, $3  }
0x1: {  	(tag) =	ssettag $0x0;
	lr =	simm.s32 $0x1  }
0x2: {  	[smem:$0x3F9E] =	sst lr;
	_ =	strace $0xD0000000  }
0x3: {  	_ = 	snop  }
0x4: {  	_ = 	snop  }
0x5: {  	_ = 	snop  }
0x6: {  	_ = 	snop  }
0x7: {  	_ = 	snop  }
__scs_overlays_trampoline_lowered:
0x8: {  	[smem:$0x3FAD] =	sst s0  }
0x9: {  	[smem:$0x3FAE] =	sst s1  }
0xa: {  	[smem:$0x3FAF] =	sst s2  }
0xb: {  	[smem:$0x3FB0] =	sst s3  }
0xc: {  	[smem:$0x3FB1] =	sst s4  }
0xd: {  	[smem:$0x3FB2] =	sst s5  }
0xe: {  	[smem:$0x3FB3] =	sst s6  }
0xf: {  	[smem:$0x3FB4] =	sst s7  }
0x10: {  	[smem:$0x3FB5] =	sst s8  }
0x11: {  	[smem:$0x3FB6] =	sst s9;
	s0 =	simm.s32 @!p0 $0x0  }
0x12: {  	s1 =	sld [smem:$0x3F9C];
	s0 =	simm.s32 @p0 $0x1  }
0x13: {  	[smem:$0x3FB7] =	sst s0;
	s0 =	simm.s32 @!p1 $0x0  }
0x14: {  	s2 =	sld [smem:$0x3F9B];
	s0 =	simm.s32 @p1 $0x1  }
0x15: {  	[smem:$0x3FB8] =	sst s0;
	s0 =	simm.s32 @!p2 $0x0  }
0x16: {  	s3 =	sld [smem:$0x3FDB];
	s0 =	simm.s32 @p2 $0x1  }
0x17: {  	s4 =	simm.s32 $0x1BF5;
	[smem:$0x3FBA] =	sst s0  }
0x18: {  	s0 =	sld [smem:$0x3F9D];
	_ =	swait.ge [sflag:s4], $0x0  }
0x19: {  	s7 =	sld [smem:$0x3F9E]  }
0x1a: {  	s8 =	sadd.s32 $0xFFFFE003, lr  }
0x1b: {  	s9 =	sadd.s32 $0xFFFFFEF7, lr;
	s5 =	simm.s32 $0xFFFFFFFF;
	p2 =	slt.u32 s8, $0xFFFFF086  }
0x1c: {  	p1 =	slt.u32 s9, $0xF7A;
	s5 =	simm.s32 @!p2 $0x0  }
0x1d: {  	s5 =	simm.s32 @p1 $0x1;
	p0 =	seq.s32 s7, s2  }
0x1e: {  	s7 =	smul.u32 @!p0 $0xF7A, s2;
	p2 =	seq.s32 @!p0 s5, $0x0  }
0x1f: {  	s9 =	smul.u32 $0xF7A, s1;
	s8 =	simm.s32 @!p0 $0x1BF5;
	p2 =	por !p2, p0  }
0x20: {  	[sflag:s8] =	ssyncset.s32 @!p0 $0xFFFFF086;
	s6 =	sadd.s32 @!p0 s3, s7;
	s7 =	simm.s32 @!p0 $0x108  }
0x21: {  	s3 =	sadd.s32 s3, s9;
	s6 =	sadd.s32 @!p0 $0x88, s6;
	s7 =	simm.s32 @p2 $0x1082  }
0x22: {  	[simem:s7], [sflag:s8] =	dma.local @!p0 [hbm:s6], $0xF7A  }
0x23: {  	s9 =	sor.u32 $0xD0000000, s2;
	s6 =	simm.s32 $0x108;
	_ =	swait.ge @!p0 [sflag:s8], $0x0  }
0x24: {  	s3 =	sadd.s32 $0x88, s3;
	s6 =	simm.s32 @!p1 $0x1082;
	[sflag:s4] =	ssyncset.s32 $0xFFFFF086  }
0x25: {  	[simem:s6], [sflag:s4] =	dma.local [hbm:s3], $0xF7A  }
0x26: {  	[smem:$0x3F9E] =	sst s1;
	(tag) =	ssettag s2;
	_ =	strace s9  }
0x27: {  	s1 =	sld [smem:$0x3FAE]  }
0x28: {  	s2 =	sld [smem:$0x3FAF]  }
0x29: {  	s4 =	sld [smem:$0x3FB1]  }
0x2a: {  	p0 =	seq.s32 s5, $0x0;
	s5 =	sld [smem:$0x3FB2]  }
0x2b: {  	s6 =	sld [smem:$0x3FB3]  }
0x2c: {  	s7 =	sld [smem:$0x3FB4]  }
0x2d: {  	s3 =	simm.s32 $0x108;
	s8 =	sld [smem:$0x3FB5]  }
0x2e: {  	s3 =	simm.s32 @!p0 $0x1082;
	s9 =	sld [smem:$0x3FB6]  }
0x2f: {  	lr =	sadd.s32 s0, s3;
	s0 =	sld [smem:$0x3FAD]  }
0x30: {  	s3 =	sld [smem:$0x3FB0]  }
0x31: {  	[smem:$0x3FB9] =	sst s10  }
0x32: {  	s10 =	sld [smem:$0x3FB7];
	_ =	sdelay $0x3  }
0x33: {  	p0 =	seq.s32 s10, $0x1;
	s10 =	sld [smem:$0x3FB9];
	_ =	sdelay $0x3  }
0x34: {  	[smem:$0x3FB9] =	sst s10  }
0x35: {  	s10 =	sld [smem:$0x3FB8];
	_ =	sdelay $0x3  }
0x36: {  	p1 =	seq.s32 s10, $0x1;
	s10 =	sld [smem:$0x3FB9];
	_ =	sdelay $0x3  }
0x37: {  	[smem:$0x3FB9] =	sst s10  }
0x38: {  	s10 =	sld [smem:$0x3FBA]  }
0x39: {  	_ = 	snop;
	(pc) =	sbr.ind lr, $3  }
0x3a: {  	_ = 	snop  }
0x3b: {  	_ = 	snop  }
0x3c: {  	p2 =	seq.s32 s10, $0x1;
	s10 =	sld [smem:$0x3FB9]  }
0x3d: {  	_ =	shalt  }
0x3e: {  	_ =	shalt  }
0x3f: {  	_ =	shalt  }
0x40: {  	_ =	shalt  }
0x41: {  	_ =	shalt  }
0x42: {  	_ =	shalt  }
0x43: {  	_ =	shalt  }
0x44: {  	_ =	shalt  }
0x45: {  	_ =	shalt  }
0x46: {  	_ =	shalt  }
0x47: {  	_ =	shalt  }
0x48: {  	_ =	shalt  }
0x49: {  	_ =	shalt  }
0x4a: {  	_ =	shalt  }
0x4b: {  	_ =	shalt  }
0x4c: {  	_ =	shalt  }
0x4d: {  	_ =	shalt  }
0x4e: {  	_ =	shalt  }
0x4f: {  	_ =	shalt  }
0x50: {  	_ =	shalt  }
0x51: {  	_ =	shalt  }
0x52: {  	_ =	shalt  }
0x53: {  	_ =	shalt  }
0x54: {  	_ =	shalt  }
0x55: {  	_ =	shalt  }
0x56: {  	_ =	shalt  }
0x57: {  	_ =	shalt  }
0x58: {  	_ =	shalt  }
0x59: {  	_ =	shalt  }
0x5a: {  	_ =	shalt  }
0x5b: {  	_ =	shalt  }
0x5c: {  	_ =	shalt  }
0x5d: {  	_ =	shalt  }
0x5e: {  	_ =	shalt  }
0x5f: {  	_ =	shalt  }
0x60: {  	_ =	shalt  }
0x61: {  	_ =	shalt  }
0x62: {  	_ =	shalt  }
0x63: {  	_ =	shalt  }
0x64: {  	_ =	shalt  }
0x65: {  	_ =	shalt  }
0x66: {  	_ =	shalt  }
0x67: {  	_ =	shalt  }
0x68: {  	_ =	shalt  }
0x69: {  	_ =	shalt  }
0x6a: {  	_ =	shalt  }
0x6b: {  	_ =	shalt  }
0x6c: {  	_ =	shalt  }
0x6d: {  	_ =	shalt  }
0x6e: {  	_ =	shalt  }
0x6f: {  	_ =	shalt  }
0x70: {  	_ =	shalt  }
0x71: {  	_ =	shalt  }
0x72: {  	_ =	shalt  }
0x73: {  	_ =	shalt  }
0x74: {  	_ =	shalt  }
0x75: {  	_ =	shalt  }
0x76: {  	_ =	shalt  }
0x77: {  	_ =	shalt  }
0x78: {  	_ =	shalt  }
0x79: {  	_ =	shalt  }
0x7a: {  	_ =	shalt  }
0x7b: {  	_ =	shalt  }
0x7c: {  	_ =	shalt  }
0x7d: {  	_ =	shalt  }
0x7e: {  	_ =	shalt  }
0x7f: {  	_ =	shalt  }
0x80: {  	_ =	shalt  }
0x81: {  	_ =	shalt  }
0x82: {  	_ =	shalt  }
0x83: {  	_ =	shalt  }
0x84: {  	_ =	shalt  }
0x85: {  	_ =	shalt  }
0x86: {  	_ =	shalt  }
0x87: {  	_ =	shalt  }
.Lfunc_end0:
.L_simem_size_0:
called_computation.1_lowered:
.L_overlay_start_0:
0x88: {  	s2 =	sld [smem:$0x3FD9]  }
0x89: {  	s3 =	sld [smem:$0x3FFE];
	_ =	sdelay $0x1  }
0x8a: {  	s1 =	srdreg.scid  }
0x8b: {  	s0 =	sand.u32 $0x1, s1  }
0x8c: {  	s17 =	sshll.u32 s0, $0xA;
	s2 =	sadd.s32 s3, s2  }
0x8d: {  	s2 =	sadd.s32 s2, s17  }
0x8e: {  	[smem:$0x3FC5] =	sst s2  }
0x8f: {  	_ = 	snop  }
0x90: {  	s2 =	sld [smem:$0x3FD0];
	(tm) =	ssettm $0x1  }
0x91: {  	s18 =	sld [smem:$0x3FFB];
	_ =	sdelay $0x3  }
0x92: {  	_ =	strace s18  }
0x93: {  	s3 =	sld [smem:$0x3FFC];
	_ =	sdelay $0x3  }
0x94: {  	_ =	strace s3  }
0x95: {  	s3 =	sld [smem:$0x3FFD];
	_ =	sdelay $0x3  }
0x96: {  	_ =	strace s3  }
0x97: {  	_ =	strace $0x8FFFFFFF  }
0x98: {  	s19 =	sld [smem:$0x3FDB];
	_ =	sdelay $0x1  }
0x99: {  	s4 =	simm.s32 $_scs_section_size  }
0x9a: {  	s5 =	simm.s32 $_size__tile_overlayer_lowered;
	s6 =	simm.s32 $_tile_overlayer_lowered  }
0x9b: {  	s22 =	simm.s32 $0x1BFF;
	s21 =	sshll.u32 s6, $0x1;
	s3 =	sadd.s32 s4, s19  }
0x9c: {  	s7 =	simm.s32 $0x0;
	s20 =	sshll.u32 s5, $0x1;
	s5 =	sadd.s32 s21, s3  }
0x9d: {  	[timem:s7], [sflag:s22] =	dma.local [hbm:s5], s20  }
0x9e: {  	_ =	swait.ge [sflag:s22], s20  }
0x9f: {  	s4 =	ssub.s32 $0x0, s20;
	[sflag:s22] =	ssyncset.done $0x0  }
0xa0: {  	[sflag:s22] =	ssyncadd.s32 s4;
	_ =	sdelay $0x1  }
0xa1: {  	s23 =	simm.s32 $0x1B8B  }
0xa2: {  	_ =	swait.ge [sflag:s23], $0x1  }
0xa3: {  	[sflag:s23] =	ssyncset.done $0x0  }
0xa4: {  	s25 =	simm.s32 $0x1B8E;
	s24 =	sld [smem:$0x3FFE];
	[sflag:s23] =	ssyncadd.s32 $0xFFFFFFFF  }
0xa5: {  	s26 =	simm.s32 $execute0_lowered;
	[smem:$0x3FD2] =	sst s25  }
0xa6: {  	s5 =	sshll.u32 s26, $0x1;
	_ =	strace $0x80000046;
	[dreg:$0x1] =	wrdreg $0xFFFFFFFF  }
0xa7: {  	s28 =	simm.s32 $_size_execute0_lowered;
	s3 =	sadd.s32 s3, s5;
	[dreg:$0x0] =	wrdreg $0x0  }
0xa8: {  	s5 =	sshll.u32 s28, $0x1;
	[dreg:$0x2] =	wrdreg s3  }
0xa9: {  	[dreg:$0x3] =	wrdreg s5  }
0xaa: {  	[dreg:$0x4] =	wrdreg $0xC0  }
0xab: {  	_ =	task [dreg:s7], $0x5FFFF  }
0xac: {  	[dreg:$0x1] =	wrdreg $0xFFFFFFFF  }
0xad: {  	[dreg:$0x0] =	wrdreg $0x60  }
0xae: {  	[dreg:$0x2] =	wrdreg s2  }
0xaf: {  	[dreg:$0x3] =	wrdreg s24  }
0xb0: {  	[dreg:$0x4] =	wrdreg $0x184000  }
0xb1: {  	[dreg:$0x5] =	wrdreg $0x9  }
0xb2: {  	_ =	task.clear_ibuf [dreg:s7], $0x6FFFF;
	_ =	strace $0x90000046  }
0xb3: {  	s29 =	simm.s32 $0x9;
	_ =	strace $0x80000048  }
0xb4: {  	_ =	swait.ge [sflag:s29], $0x1  }
0xb5: {  	[sflag:s29] =	ssyncadd.s32 $0xFFFFFFFF  }
0xb6: {  	_ =	strace $0x90000048  }
0xb7: {  	_ =	sfence  }
0xb8: {  	s30 =	sld [smem:$0x0];
	_ =	sdelay $0x2  }
0xb9: {  	s31 =	sshll.u32 s1, $0xD;
	s1 =	sshrl.u32 s1, $0x2  }
0xba: {  	s3 =	sand.u32 $0x4000, s31;
	s1 =	sadd.s32 s1, s30  }
0xbb: {  	s0 =	sor.u32 s3, s0;
	s1 =	sshll.u32 s1, $0x11  }
0xbc: {  	s0 =	sor.u32 s1, s0  }
0xbd: {  	s0 =	sadd.s32 $0x8F2B, s0  }
0xbe: {  	[sflag:s0] =	ssyncadd.remote.s32 $0x1  }
0xbf: {  	_ =	sfence.sel $0xFFFF  }
0xc0: {  	[dreg:$0x0] =	wrdreg $0xFFFFFFFF;
	(pc) =	sbr.abs _section_cstart, $3  }
0xc1: {  	[dreg:$0x1] =	wrdreg $0xFFFFFFFF  }
0xc2: {  	_ =	task.clear_ibuf [dreg:s7], $0x2FFFF;
	_ =	strace $0x9FFFFFFF  }
0xc3: {  	(tm) =	ssettm $0x7FFFFFFF  }
tec
execute0_lowered:
.L_overlay_start_1:
0x0: {  	(tag) =	ssettag $0x1  }
0x1: {  	s0 =	rddreg [dreg:$0x0]  }
0x2: {  	s1 =	rddreg [dreg:$0x1];
	s3 =	srdreg.scid  }
0x3: {  	s5 =	stileid.u32;
	s2 =	rddreg [dreg:$0x2]  }
0x4: {  	s28 =	simm.s32 $0x2;
	s29 =	simm.s32 $0x280;
	s30 =	simm.s32 $0x4400  }
0x5: {  	s31 =	simm.s32 $0x380;
	s6 =	sand.u32 $0x1, s3;
	s4 =	sshll.u32 s5, $0x1  }
0x6: {  	s3 =	simm.s32 $0x0;
	s18 =	sadd.s32 $0x19C00, s1;
	p0 =	sne.s32 s5, $0x0  }
0x7: {  	s5 =	simm.s32 $0x6;
	s7 =	sor.u32 s6, s4;
	[smem:$0x7FF] =	sst s3  }
0x8: {  	s4 =	sadd.s32 $0xC00, s1;
	s9 =	ssub.s32 $0x2, s6;
	s6 =	sadd.s32 $0x1DC00, s1  }
0x9: {  	s1 =	simm.s32 $0xC400;
	s8 =	smul.u32 $0x6400, s7;
	_ =	strace $0x80000047  }
0xa: {  	v0 =	vimm.f32 $1.000000050e-03;
	[dreg:$0x4] =	wrdreg s18;
	s10 =	sshrl.u32 s9, $0x1;
	s25 =	smul.u32 $0x64000, s7  }
0xb: {  	s14 =	smul.u32 $0x320000, s7;
	s18 =	sshrl.u32 @!p0 s2, $0x3;
	s7 =	simm.s32 $0x0;
	(erf) = vrcp.f32 v0  }
0xc: {  	s19 =	ssub.s32 s9, s10;
	s11 =	sshrl.u32 s8, $0x3;
	s13 =	sor.u32 $0x180, s8  }
0xd: {  	s15 =	sor.u32 $0x200, s8;
	s26 =	sadd.s32 s25, s6;
	s16 =	smax.u32 s19, $0x1  }
0xe: {  	s25 =	simm.s32 $0x14400;
	s20 =	sor.u32 $0x10, s11;
	s21 =	sadd.s32 s0, s11  }
0xf: {  	s22 =	sadd.s32 s4, s11;
	s24 =	sor.u32 $0x20, s11;
	[dreg:$0x5] =	wrdreg s21  }
0x10: {  	s17 =	sadd.s32 $0x800, s26;
	s26 =	simm.s32 $0x5;
	[dreg:$0x6] =	wrdreg s22  }
0x11: {  	s23 =	sadd.s32 s0, s20;
	s9 =	sadd.s32 s4, s20;
	s11 =	sadd.s32 s0, s24  }
0x12: {  	s12 =	sadd.s32 s4, s24;
	s20 =	simm.s32 $0x80;
	[dreg:$0x7] =	wrdreg s23  }
0x13: {  	s22 =	simm.s32 $0x1;
	s21 =	simm.s32 $0x3;
	[dreg:$0x8] =	wrdreg s9  }
0x14: {  	s24 =	simm.s32 $0x4;
	[dreg:$0x9] =	wrdreg s11;
	s23 =	simm.s32 $0x10400;
	v0 =	vpop (erf)  }
.LBB2_1:
0x15: {  	s8 =	simm.s32 @!p0 $0x1C07;
	s9 =	rddreg [dreg:$0x4]  }
0x16: {  	[spmem:s18], [sflag:s8] =	dma.local @!p0 [hbm:s9], $0x3E90  }
0x17: {  	s8 =	simm.s32 @!p0 $0x7  }
0x18: {  	_ =	swait.ge @!p0 [sflag:s8], $0x3E90  }
0x19: {  	[sflag:s8] =	ssyncset.done @!p0 $0x0  }
0x1a: {  	[sflag:s8] =	ssyncadd.s32 @!p0 $0xFFFFC170  }
0x1b: {  	[bflag:$0x0] =	sbarrier.arrive $0xFFFF  }
0x1c: {  	s9 =	rddreg [dreg:$0x5]  }
0x1d: {  	[tilespmem:s3], [sflag:$0x1] =	stream.linear.gather [hbm4b:s9+s3], $0x80, $0x38;
	[tilespmem:$0x1A348] =	vst v63  }
0x1e: {  	s10 =	rddreg [dreg:$0x6];
	s9 =	simm.s32 $0x100  }
0x1f: {  	[tilespmem:s9], [sflag:$0x1] =	stream.linear.gather [hbm4b:s10+s3], $0x80, $0x38;
	[tilespmem:$0x1A348] =	vst v63  }
0x20: {  	s11 =	rddreg [dreg:$0x7]  }
0x21: {  	[tilespmem:s20], [sflag:$0x2] =	stream.linear.gather [hbm4b:s11+s3], $0x80, $0x38;
	[tilespmem:$0x1A348] =	vst v63  }
0x22: {  	s19 =	rddreg [dreg:$0x8];
	s10 =	simm.s32 $0x180  }
0x23: {  	[tilespmem:s10], [sflag:$0x2] =	stream.linear.gather [hbm4b:s19+s3], $0x80, $0x38;
	[tilespmem:$0x1A348] =	vst v63  }
0x24: {  	_ =	swait.ge [sflag:s22], $0x80  }
0x25: {  	[sflag:s22] =	ssyncset.done $0x0  }
0x26: {  	[sflag:s22] =	ssyncadd.s32 $0xFFFFFF80  }
0x27: {  	_ =	swait.ge [sflag:s22], $0x80  }
0x28: {  	[sflag:s22] =	ssyncset.done $0x0  }
0x29: {  	[sflag:s22] =	ssyncadd.s32 $0xFFFFFF80  }
0x2a: {  	v1 =	vld [tilespmem:$0x0]  }
0x2b: {  	v2 =	vld [tilespmem:$0x100]  }
0x2c: {  	v3 =	vld [tilespmem:$0x10]  }
0x2d: {  	v4 =	vld [tilespmem:$0x110]  }
0x2e: {  	v5 =	vld [tilespmem:$0x20]  }
0x2f: {  	v6 =	vld [tilespmem:$0x120]  }
0x30: {  	v7 =	vld [tilespmem:$0x30]  }
0x31: {  	v8 =	vld [tilespmem:$0x130]  }
0x32: {  	v9 =	vld [tilespmem:$0x40]  }
0x33: {  	v10 =	vld [tilespmem:$0x140]  }
0x34: {  	v12 =	vld [tilespmem:$0x150]  }
0x35: {  	v53 =	vld [tilespmem:$0x160];
	v1 =	vmul.f32 v1, v0  }
0x36: {  	v57 =	vld [tilespmem:$0x70];
	v2 =	vmul.f32 v2, v0;
	v3 =	vmul.f32 v3, v0  }
0x37: {  	v4 =	vmul.f32 v4, v0;
	v5 =	vmul.f32 v5, v0  }
0x38: {  	v6 =	vmul.f32 v6, v0;
	v7 =	vmul.f32 v7, v0  }
0x39: {  	v8 =	vmul.f32 v8, v0;
	v9 =	vmul.f32 v9, v0  }
0x3a: {  	v52 =	vmul.f32 v10, v0;
	v56 =	vmul.f32 v12, v0  }
0x3b: {  	v61 =	vmul.f32 v53, v0;
	v62 =	vmul.f32 v57, v0  }
0x3c: {  	v1 =	vtrunc.f32 v1;
	v2 =	vtrunc.f32 v2  }
0x3d: {  	v3 =	vtrunc.f32 v3;
	v4 =	vtrunc.f32 v4  }
0x3e: {  	v5 =	vtrunc.f32 v5;
	v1 =	vcvt.f32.s32 v1  }
0x3f: {  	v6 =	vtrunc.f32 v6;
	v2 =	vcvt.f32.s32 v2  }
0x40: {  	v11 =	vld [tilespmem:$0x50];
	v7 =	vtrunc.f32 v7;
	v4 =	vcvt.f32.s32 v4;
	v1 =	vmin.u32 v1, $0x3E8  }
0x41: {  	v8 =	vtrunc.f32 v8;
	v5 =	vcvt.f32.s32 v5;
	v2 =	vmin.u32 v2, $0x3E8;
	[tilespmem:$0x200] =	vst v1  }
0x42: {  	v51 =	vld [tilespmem:$0x60];
	v55 =	vtrunc.f32 v52;
	v3 =	vcvt.f32.s32 v3;
	v4 =	vmin.u32 v4, $0x3E8;
	[tilespmem:$0x300] =	vst v2  }
0x43: {  	v59 =	vld [tilespmem:$0x170];
	v6 =	vcvt.f32.s32 v6;
	v50 =	vcvt.f32.s32 v8;
	v54 =	vmin.u32 v5, $0x3E8;
	[tilespmem:$0x310] =	vst v4  }
0x44: {  	v1 =	vcvt.f32.s32 v7;
	v2 =	vmin.u32 v3, $0x3E8;
	v3 =	vtrunc.f32 v9;
	[tilespmem:$0x220] =	vst v54  }
0x45: {  	v6 =	vmin.u32 v6, $0x3E8;
	[tilespmem:$0x210] =	vst v2;
	v2 =	vcvt.f32.s32 v3;
	v3 =	vmul.f32 v11, v0  }
0x46: {  	v60 =	vtrunc.f32 v56;
	v58 =	vcvt.f32.s32 v55;
	[tilespmem:$0x320] =	vst v6;
	v1 =	vmin.u32 v1, $0x3E8  }
0x47: {  	v8 =	vmul.f32 v51, v0;
	v3 =	vtrunc.f32 v3;
	[tilespmem:$0x230] =	vst v1;
	v1 =	vmin.u32 v50, $0x3E8  }
0x48: {  	v5 =	vmul.f32 v59, v0;
	v3 =	vcvt.f32.s32 v3;
	[tilespmem:$0x330] =	vst v1;
	v1 =	vmin.u32 v2, $0x3E8  }
0x49: {  	v6 =	vcvt.f32.s32 v60;
	v2 =	vtrunc.f32 v8;
	[tilespmem:$0x240] =	vst v1;
	v1 =	vmin.u32 v58, $0x3E8  }
0x4a: {  	v2 =	vcvt.f32.s32 v2;
	[tilespmem:$0x340] =	vst v1;
	v1 =	vmin.u32 v3, $0x3E8;
	v3 =	vtrunc.f32 v61  }
0x4b: {  	v4 =	vtrunc.f32 v62;
	[tilespmem:$0x250] =	vst v1;
	v1 =	vmin.u32 v6, $0x3E8;
	v3 =	vcvt.f32.s32 v3  }
0x4c: {  	v63 =	vtrunc.f32 v5;
	[tilespmem:$0x350] =	vst v1;
	v1 =	vmin.u32 v2, $0x3E8;
	v2 =	vcvt.f32.s32 v4  }
0x4d: {  	[tilespmem:$0x260] =	vst v1;
	v1 =	vmin.u32 v3, $0x3E8;
	v3 =	vcvt.f32.s32 v63  }
0x4e: {  	[tilespmem:$0x360] =	vst v1;
	v1 =	vmin.u32 v2, $0x3E8  }
0x4f: {  	v2 =	vmin.u32 v3, $0x3E8;
	[tilespmem:$0x270] =	vst v1  }
0x50: {  	s11 =	simm.s32 $0x200;
	s19 =	simm.s32 $0x400;
	[tilespmem:$0x370] =	vst v2  }
0x51: {  	[tilespmem:s19], [sflag:$0x3] =	stream.indirect.gather [spmem:s2], $0x80, s11, s20, $0xb8;
	[tilespmem:$0x1A348] =	vst v63  }
0x52: {  	s10 =	simm.s32 $0x300;
	s11 =	simm.s32 $0x8400  }
0x53: {  	[tilespmem:s11], [sflag:$0x3] =	stream.indirect.gather [spmem:s2], $0x80, s10, s20, $0xb8;
	[tilespmem:$0x1A348] =	vst v63  }
0x54: {  	s19 =	rddreg [dreg:$0x9]  }
0x55: {  	[tilespmem:s3], [sflag:$0x1] =	stream.linear.gather [hbm4b:s19+s3], $0x80, $0x38;
	[tilespmem:$0x1A348] =	vst v63  }
0x56: {  	s8 =	simm.s32 $0x0  }
0x57: {  	[tilespmem:s9], [sflag:$0x1] =	stream.linear.gather [hbm4b:s12+s3], $0x80, $0x38;
	[tilespmem:$0x1A348] =	vst v63  }
.LBB2_2:
0x58: {  	_ =	swait.ge [sflag:s28], $0x80  }
0x59: {  	[sflag:s28] =	ssyncset.done $0x0  }
0x5a: {  	[sflag:s28] =	ssyncadd.s32 $0xFFFFFF80  }
0x5b: {  	_ =	swait.ge [sflag:s28], $0x80  }
0x5c: {  	[sflag:s28] =	ssyncset.done $0x0  }
0x5d: {  	[sflag:s28] =	ssyncadd.s32 $0xFFFFFF80  }
0x5e: {  	v1 =	vld [tilespmem:$0x80]  }
0x5f: {  	v2 =	vld [tilespmem:$0x180]  }
0x60: {  	v3 =	vld [tilespmem:$0x90]  }
0x61: {  	v4 =	vld [tilespmem:$0x190]  }
0x62: {  	v5 =	vld [tilespmem:$0xA0]  }
0x63: {  	v6 =	vld [tilespmem:$0x1A0]  }
0x64: {  	v7 =	vld [tilespmem:$0xB0]  }
0x65: {  	v8 =	vld [tilespmem:$0x1B0]  }
0x66: {  	v9 =	vld [tilespmem:$0xC0]  }
0x67: {  	v10 =	vld [tilespmem:$0x1C0]  }
0x68: {  	v12 =	vld [tilespmem:$0x1D0];
	v1 =	vmul.f32 v1, v0;
	v2 =	vmul.f32 v2, v0  }
0x69: {  	v3 =	vmul.f32 v3, v0;
	v4 =	vmul.f32 v4, v0  }
0x6a: {  	v5 =	vmul.f32 v5, v0;
	v6 =	vmul.f32 v6, v0  }
0x6b: {  	v7 =	vmul.f32 v7, v0;
	v8 =	vmul.f32 v8, v0  }
0x6c: {  	v9 =	vmul.f32 v9, v0;
	v58 =	vmul.f32 v10, v0  }
0x6d: {  	v60 =	vmul.f32 v12, v0;
	v1 =	vtrunc.f32 v1  }
0x6e: {  	v2 =	vtrunc.f32 v2;
	v3 =	vtrunc.f32 v3  }
0x6f: {  	v4 =	vtrunc.f32 v4;
	v5 =	vtrunc.f32 v5  }
0x70: {  	v6 =	vtrunc.f32 v6;
	v1 =	vcvt.f32.s32 v1  }
0x71: {  	v7 =	vtrunc.f32 v7;
	v2 =	vcvt.f32.s32 v2  }
0x72: {  	v11 =	vld [tilespmem:$0xD0];
	v4 =	vcvt.f32.s32 v4;
	v6 =	vcvt.f32.s32 v6;
	v1 =	vmin.u32 v1, $0x3E8  }
0x73: {  	v8 =	vtrunc.f32 v8;
	v3 =	vcvt.f32.s32 v3;
	v2 =	vmin.u32 v2, $0x3E8;
	[tilespmem:$0x280] =	vst v1  }
0x74: {  	v59 =	vld [tilespmem:$0x1E0];
	v5 =	vcvt.f32.s32 v5;
	v4 =	vmin.u32 v4, $0x3E8;
	v6 =	vmin.u32 v6, $0x3E8;
	[tilespmem:$0x380] =	vst v2  }
0x75: {  	v1 =	vcvt.f32.s32 v7;
	v7 =	vcvt.f32.s32 v8;
	v8 =	vld [tilespmem:$0xE0];
	v2 =	vmin.u32 v3, $0x3E8;
	[tilespmem:$0x390] =	vst v4  }
0x76: {  	v61 =	vld [tilespmem:$0xF0];
	v3 =	vtrunc.f32 v9;
	v4 =	vmin.u32 v5, $0x3E8;
	v5 =	vtrunc.f32 v58;
	[tilespmem:$0x3A0] =	vst v6  }
0x77: {  	[tilespmem:$0x290] =	vst v2;
	v2 =	vcvt.f32.s32 v3;
	v3 =	vmul.f32 v11, v0  }
0x78: {  	v6 =	vtrunc.f32 v60;
	[tilespmem:$0x2A0] =	vst v4;
	v4 =	vcvt.f32.s32 v5;
	v5 =	vld [tilespmem:$0x1F0];
	v1 =	vmin.u32 v1, $0x3E8  }
0x79: {  	v3 =	vtrunc.f32 v3;
	[tilespmem:$0x2B0] =	vst v1;
	v1 =	vmin.u32 v7, $0x3E8;
	v7 =	vmul.f32 v59, v0  }
0x7a: {  	v3 =	vcvt.f32.s32 v3;
	[tilespmem:$0x3B0] =	vst v1;
	v1 =	vmin.u32 v2, $0x3E8;
	v8 =	vmul.f32 v8, v0  }
0x7b: {  	v6 =	vcvt.f32.s32 v6;
	[tilespmem:$0x2C0] =	vst v1;
	v1 =	vmin.u32 v4, $0x3E8;
	v4 =	vmul.f32 v61, v0  }
0x7c: {  	[tilespmem:$0x3C0] =	vst v1;
	v1 =	vmin.u32 v3, $0x3E8;
	v3 =	vtrunc.f32 v7;
	v2 =	vtrunc.f32 v8  }
0x7d: {  	v5 =	vmul.f32 v5, v0;
	v2 =	vcvt.f32.s32 v2  }
0x7e: {  	[tilespmem:$0x2D0] =	vst v1;
	v1 =	vmin.u32 v6, $0x3E8;
	v3 =	vcvt.f32.s32 v3;
	v4 =	vtrunc.f32 v4  }
0x7f: {  	[tilespmem:$0x3D0] =	vst v1;
	v1 =	vmin.u32 v2, $0x3E8;
	v2 =	vcvt.f32.s32 v4;
	v4 =	vtrunc.f32 v5  }
0x80: {  	[tilespmem:$0x2E0] =	vst v1;
	v1 =	vmin.u32 v3, $0x3E8;
	v3 =	vcvt.f32.s32 v4  }
0x81: {  	p1 =	seq.s32 s8, $0x63;
	[tilespmem:$0x3E0] =	vst v1;
	v1 =	vmin.u32 v2, $0x3E8  }
0x82: {  	s9 =	sshll.u32 @!p1 s8, $0x8;
	v2 =	vmin.u32 v3, $0x3E8;
	[tilespmem:$0x2F0] =	vst v1  }
0x83: {  	s9 =	sadd.s32 @!p1 s9, s13;
	[tilespmem:$0x3F0] =	vst v2  }
0x84: {  	[tilespmem:s30], [sflag:$0x4] =	stream.indirect.gather [spmem:s2], $0x80, s29, s20, $0xb8;
	[tilespmem:$0x1A348] =	vst v63  }
0x85: {  	s19 =	simm.s32 @!p1 $0x0;
	s9 =	sshrl.u32 @!p1 s9, $0x3  }
0x86: {  	[tilespmem:s1], [sflag:$0x4] =	stream.indirect.gather [spmem:s2], $0x80, s31, s20, $0xb8;
	[tilespmem:$0x1A348] =	vst v63  }
0x87: {  	s11 =	simm.s32 @!p1 $0x80;
	p2 =	seq.s32 @!p1 s8, $0x0;
	s10 =	sadd.s32 @!p1 s0, s9  }
0x88: {  	[tilespmem:s11], [sflag:$0x2] =	stream.linear.gather @!p1 [hbm4b:s10+s19], $0x80, $0x38;
	[tilespmem:$0x1A348] =	vst v63  }
0x89: {  	p2 =	por p1, !p2;
	s9 =	sadd.s32 @!p1 s4, s9;
	s10 =	simm.s32 @!p1 $0x180  }
0x8a: {  	[tilespmem:s10], [sflag:$0x2] =	stream.linear.gather @!p1 [hbm4b:s9+s19], $0x80, $0x38;
	[tilespmem:$0x1A348] =	vst v63  }
0x8b: {  	_ =	swait.ge @p2 [sflag:s26], $0x4000  }
0x8c: {  	[sflag:s26] =	ssyncset.done @p2 $0x0  }
0x8d: {  	[sflag:s26] =	ssyncadd.s32 @p2 $0xFFFFC000  }
0x8e: {  	_ =	swait.ge [sflag:s21], $0x4000  }
0x8f: {  	[sflag:s21] =	ssyncset.done $0x0  }
0x90: {  	[sflag:s21] =	ssyncadd.s32 $0xFFFFC000  }
0x91: {  	_ =	swait.ge [sflag:s21], $0x4000  }
0x92: {  	[sflag:s21] =	ssyncset.done $0x0  }
0x93: {  	s9 =	simm.s32 $0x0;
	[sflag:s21] =	ssyncadd.s32 $0xFFFFC000  }
0x94: {  	v1 =	vld [tilespmem:s9+$0x4B0]  }
0x95: {  	v2 =	vld [tilespmem:s9+$0x84F0]  }
0x96: {  	v3 =	vld [tilespmem:s9+$0x400]  }
0x97: {  	v4 =	vld [tilespmem:s9+$0x8440]  }
0x98: {  	v5 =	vld [tilespmem:s9+$0x410]  }
0x99: {  	v6 =	vld [tilespmem:s9+$0x8450]  }
0x9a: {  	v7 =	vld [tilespmem:s9+$0x420]  }
0x9b: {  	v8 =	vld [tilespmem:s9+$0x430]  }
0x9c: {  	v1 =	vadd.f32 v2, v1;
	v2 =	vld [tilespmem:s9+$0x8460]  }
0x9d: {  	v62 =	vld [tilespmem:s9+$0x8470]  }
0x9e: {  	v63 =	vld [tilespmem:s9+$0x84C0];
	v3 =	vadd.f32 v4, v3  }
0x9f: {  	[tilespmem:s9+$0x104B0] =	vst v1;
	v1 =	vadd.f32 v6, v5;
	v6 =	vld [tilespmem:s9+$0x480]  }
0xa0: {  	v4 =	vld [tilespmem:s9+$0x84D0];
	[tilespmem:s9+$0x10400] =	vst v3  }
0xa1: {  	v3 =	vld [tilespmem:s9+$0x490];
	[tilespmem:s9+$0x10410] =	vst v1;
	v1 =	vadd.f32 v2, v7  }
0xa2: {  	v5 =	vld [tilespmem:s9+$0x84E0];
	v7 =	vadd.f32 v62, v8  }
0xa3: {  	s10 =	simm.s32 $0x100;
	[tilespmem:s9+$0x10420] =	vst v1;
	v1 =	vld [tilespmem:s9+$0x4A0]  }
0xa4: {  	s19 =	simm.s32 $0x800;
	v6 =	vadd.f32 v63, v6;
	v2 =	vld [tilespmem:s10+$0x4B0];
	[tilespmem:s9+$0x10430] =	vst v7  }
.LBB2_3:
0xa5: {  	p2 =	sne.s32 s19, $0xFC00;
	v7 =	vld [tilespmem:s10+$0x84F0]  }
0xa6: {  	v8 =	vld [tilespmem:s10+$0x400];
	[tilespmem:s9+$0x10480] =	vst v6;
	v3 =	vadd.f32 v4, v3  }
0xa7: {  	v4 =	vld [tilespmem:s10+$0x8440]  }
0xa8: {  	v6 =	vld [tilespmem:s10+$0x410];
	[tilespmem:s9+$0x10490] =	vst v3;
	v1 =	vadd.f32 v5, v1  }
0xa9: {  	v3 =	vld [tilespmem:s10+$0x8450]  }
0xaa: {  	v5 =	vld [tilespmem:s10+$0x420];
	v2 =	vadd.f32 v7, v2;
	[tilespmem:s9+$0x104A0] =	vst v1;
	s9 =	smov.u32 s10  }
0xab: {  	v1 =	vld [tilespmem:s9+$0x8460]  }
0xac: {  	v4 =	vadd.f32 v4, v8;
	v7 =	vld [tilespmem:s9+$0x430];
	[tilespmem:s9+$0x104B0] =	vst v2  }
0xad: {  	v2 =	vld [tilespmem:s9+$0x8470]  }
0xae: {  	[tilespmem:s9+$0x10400] =	vst v4;
	v3 =	vadd.f32 v3, v6;
	v6 =	vld [tilespmem:s9+$0x480]  }
0xaf: {  	v8 =	vld [tilespmem:s9+$0x84C0]  }
.Ltmp0:
0xb0: {  	[tilespmem:s9+$0x10410] =	vst v3;
	v1 =	vadd.f32 v1, v5;
	v3 =	vld [tilespmem:s9+$0x490];
	(pc) =	sbr.rel @p2 .LBB2_3-.Ltmp0, $4  }
0xb1: {  	v4 =	vld [tilespmem:s9+$0x84D0]  }
0xb2: {  	[tilespmem:s9+$0x10420] =	vst v1;
	v7 =	vadd.f32 v2, v7;
	v1 =	vld [tilespmem:s9+$0x4A0]  }
0xb3: {  	s10 =	sshra.s32 s19, $0x2;
	v5 =	vld [tilespmem:s9+$0x84E0]  }
0xb4: {  	s19 =	sadd.s32 $0x400, s19;
	v2 =	vld [tilespmem:s10+$0x4B0];
	[tilespmem:s9+$0x10430] =	vst v7;
	v6 =	vadd.f32 v8, v6  }
0xb5: {  	v7 =	vld [tilespmem:s10+$0x84F0]  }
0xb6: {  	v8 =	vld [tilespmem:s10+$0x400];
	[tilespmem:s9+$0x10480] =	vst v6;
	v3 =	vadd.f32 v4, v3  }
0xb7: {  	v4 =	vld [tilespmem:s10+$0x8440]  }
0xb8: {  	v6 =	vld [tilespmem:s10+$0x410];
	[tilespmem:s9+$0x10490] =	vst v3;
	v1 =	vadd.f32 v5, v1  }
0xb9: {  	v3 =	vld [tilespmem:s10+$0x8450]  }
0xba: {  	v5 =	vld [tilespmem:s10+$0x420];
	[tilespmem:s9+$0x104A0] =	vst v1  }
0xbb: {  	v1 =	vadd.f32 v7, v2;
	v2 =	vld [tilespmem:s10+$0x8460]  }
0xbc: {  	v7 =	vld [tilespmem:s10+$0x430]  }
0xbd: {  	v4 =	vadd.f32 v4, v8;
	[tilespmem:s10+$0x104B0] =	vst v1;
	v1 =	vld [tilespmem:s10+$0x8470]  }
0xbe: {  	v8 =	vld [tilespmem:s10+$0x84E0]  }
0xbf: {  	[tilespmem:s10+$0x10400] =	vst v4;
	v3 =	vadd.f32 v3, v6;
	v4 =	vld [tilespmem:s10+$0x480]  }
0xc0: {  	v6 =	vld [tilespmem:s10+$0x84C0]  }
0xc1: {  	[tilespmem:s10+$0x10410] =	vst v3;
	v2 =	vadd.f32 v2, v5;
	v3 =	vld [tilespmem:s10+$0x490]  }
0xc2: {  	v5 =	vld [tilespmem:s10+$0x84D0]  }
0xc3: {  	[tilespmem:s10+$0x10420] =	vst v2;
	v2 =	vld [tilespmem:s10+$0x4A0];
	_ =	sdelay $0x1  }
0xc4: {  	v1 =	vadd.f32 v1, v7  }
0xc5: {  	v4 =	vadd.f32 v6, v4  }
0xc6: {  	s19 =	sshll.u32 s8, $0xF;
	[tilespmem:s10+$0x10430] =	vst v1;
	v1 =	vadd.f32 v5, v3  }
0xc7: {  	s9 =	sadd.s32 s14, s19;
	[tilespmem:s10+$0x10480] =	vst v4;
	v2 =	vadd.f32 v8, v2  }
0xc8: {  	s9 =	sshrl.u32 s9, $0x3;
	[tilespmem:s10+$0x10490] =	vst v1  }
0xc9: {  	s9 =	sadd.s32 s6, s9;
	[tilespmem:s10+$0x104A0] =	vst v2  }
0xca: {  	[hbm4b:s9+s3] =	stream.linear.scatter [tilespmem:s23], [sflag:$0x5], $0x4000, $0x38;
	[tilespmem:$0x1A348] =	vst v63  }
0xcb: {  	s9 =	simm.s32 @!p1 $0x1  }
0xcc: {  	_ =	swait.ge @!p1 [sflag:s9], $0x80  }
0xcd: {  	[sflag:s9] =	ssyncset.done @!p1 $0x0  }
0xce: {  	[sflag:s9] =	ssyncadd.s32 @!p1 $0xFFFFFF80  }
0xcf: {  	_ =	swait.ge @!p1 [sflag:s9], $0x80  }
0xd0: {  	[sflag:s9] =	ssyncset.done @!p1 $0x0  }
0xd1: {  	[sflag:s9] =	ssyncadd.s32 @!p1 $0xFFFFFF80  }
0xd2: {  	v1 =	vld @!p1 [tilespmem:$0x0]  }
0xd3: {  	v2 =	vld @!p1 [tilespmem:$0x100]  }
0xd4: {  	v3 =	vld @!p1 [tilespmem:$0x10]  }
0xd5: {  	v4 =	vld @!p1 [tilespmem:$0x110]  }
0xd6: {  	v5 =	vld @!p1 [tilespmem:$0x20]  }
0xd7: {  	v6 =	vld @!p1 [tilespmem:$0x120]  }
0xd8: {  	v7 =	vld @!p1 [tilespmem:$0x30]  }
0xd9: {  	v8 =	vld @!p1 [tilespmem:$0x130]  }
0xda: {  	v9 =	vld @!p1 [tilespmem:$0x40]  }
0xdb: {  	v1 =	vmul.f32 @!p1 v1, v0  }
0xdc: {  	v2 =	vmul.f32 @!p1 v2, v0;
	v3 =	vmul.f32 @!p1 v3, v0  }
0xdd: {  	v4 =	vmul.f32 @!p1 v4, v0;
	v5 =	vmul.f32 @!p1 v5, v0  }
0xde: {  	v6 =	vmul.f32 @!p1 v6, v0;
	v7 =	vmul.f32 @!p1 v7, v0  }
0xdf: {  	v8 =	vmul.f32 @!p1 v8, v0;
	v9 =	vmul.f32 @!p1 v9, v0  }
0xe0: {  	v1 =	vtrunc.f32 @!p1 v1;
	v2 =	vtrunc.f32 @!p1 v2  }
0xe1: {  	v3 =	vtrunc.f32 @!p1 v3;
	v4 =	vtrunc.f32 @!p1 v4  }
0xe2: {  	v5 =	vtrunc.f32 @!p1 v5;
	v6 =	vtrunc.f32 @!p1 v6  }
0xe3: {  	v10 =	vld @!p1 [tilespmem:$0x140];
	v7 =	vtrunc.f32 @!p1 v7;
	v8 =	vtrunc.f32 @!p1 v8  }
0xe4: {  	v11 =	vld @!p1 [tilespmem:$0x50];
	v1 =	vcvt.f32.s32 @!p1 v1;
	v2 =	vcvt.f32.s32 @!p1 v2  }
0xe5: {  	v12 =	vld @!p1 [tilespmem:$0x150];
	v3 =	vcvt.f32.s32 @!p1 v3;
	v4 =	vcvt.f32.s32 @!p1 v4  }
0xe6: {  	v5 =	vcvt.f32.s32 @!p1 v5;
	v6 =	vcvt.f32.s32 @!p1 v6;
	v1 =	vmin.u32 @!p1 v1, $0x3E8  }
0xe7: {  	v2 =	vmin.u32 @!p1 v2, $0x3E8;
	[tilespmem:$0x200] =	vst @!p1 v1;
	v1 =	vcvt.f32.s32 @!p1 v7;
	v7 =	vcvt.f32.s32 @!p1 v8;
	v8 =	vld @!p1 [tilespmem:$0x60]  }
0xe8: {  	[tilespmem:$0x300] =	vst @!p1 v2;
	v2 =	vmin.u32 @!p1 v3, $0x3E8;
	v3 =	vtrunc.f32 @!p1 v9;
	v9 =	vmul.f32 @!p1 v10, v0  }
0xe9: {  	v4 =	vmin.u32 @!p1 v4, $0x3E8;
	v10 =	vld @!p1 [tilespmem:$0x160];
	[tilespmem:$0x210] =	vst @!p1 v2;
	v2 =	vcvt.f32.s32 @!p1 v3;
	v3 =	vmul.f32 @!p1 v11, v0  }
0xea: {  	[tilespmem:$0x310] =	vst @!p1 v4;
	v4 =	vmin.u32 @!p1 v5, $0x3E8;
	v11 =	vld @!p1 [tilespmem:$0x70];
	v5 =	vtrunc.f32 @!p1 v9;
	v9 =	vmul.f32 @!p1 v12, v0  }
0xeb: {  	v6 =	vmin.u32 @!p1 v6, $0x3E8;
	[tilespmem:$0x220] =	vst @!p1 v4;
	v4 =	vcvt.f32.s32 @!p1 v5;
	v3 =	vtrunc.f32 @!p1 v3;
	v5 =	vld @!p1 [tilespmem:$0x170]  }
0xec: {  	[tilespmem:$0x320] =	vst @!p1 v6;
	v1 =	vmin.u32 @!p1 v1, $0x3E8;
	v6 =	vtrunc.f32 @!p1 v9;
	v8 =	vmul.f32 @!p1 v8, v0  }
0xed: {  	[tilespmem:$0x230] =	vst @!p1 v1;
	v1 =	vmin.u32 @!p1 v7, $0x3E8;
	v3 =	vcvt.f32.s32 @!p1 v3;
	v6 =	vcvt.f32.s32 @!p1 v6  }
0xee: {  	[tilespmem:$0x330] =	vst @!p1 v1;
	v1 =	vmin.u32 @!p1 v2, $0x3E8;
	v7 =	vmul.f32 @!p1 v10, v0;
	v2 =	vtrunc.f32 @!p1 v8  }
0xef: {  	v4 =	vmin.u32 @!p1 v4, $0x3E8;
	[tilespmem:$0x240] =	vst @!p1 v1;
	v1 =	vcvt.f32.s32 @!p1 v2;
	v2 =	vmul.f32 @!p1 v11, v0  }
0xf0: {  	[tilespmem:$0x340] =	vst @!p1 v4;
	v3 =	vmin.u32 @!p1 v3, $0x3E8;
	v4 =	vtrunc.f32 @!p1 v7;
	v5 =	vmul.f32 @!p1 v5, v0  }
0xf1: {  	v6 =	vmin.u32 @!p1 v6, $0x3E8;
	[tilespmem:$0x250] =	vst @!p1 v3;
	v3 =	vcvt.f32.s32 @!p1 v4;
	v2 =	vtrunc.f32 @!p1 v2  }
0xf2: {  	[tilespmem:$0x350] =	vst @!p1 v6;
	v1 =	vmin.u32 @!p1 v1, $0x3E8;
	v4 =	vtrunc.f32 @!p1 v5;
	v2 =	vcvt.f32.s32 @!p1 v2  }
0xf3: {  	v3 =	vmin.u32 @!p1 v3, $0x3E8;
	[tilespmem:$0x260] =	vst @!p1 v1;
	v1 =	vcvt.f32.s32 @!p1 v4  }
0xf4: {  	[tilespmem:$0x360] =	vst @!p1 v3;
	v2 =	vmin.u32 @!p1 v2, $0x3E8  }
0xf5: {  	v1 =	vmin.u32 @!p1 v1, $0x3E8;
	[tilespmem:$0x270] =	vst @!p1 v2  }
0xf6: {  	s11 =	simm.s32 @!p1 $0x400;
	s10 =	simm.s32 @!p1 $0x200;
	s9 =	simm.s32 @!p1 $0x80;
	[tilespmem:$0x370] =	vst @!p1 v1  }
0xf7: {  	[tilespmem:s11], [sflag:$0x3] =	stream.indirect.gather @!p1 [spmem:s2], $0x80, s10, s9, $0xb8;
	[tilespmem:$0x1A348] =	vst v63  }
0xf8: {  	p2 =	sgt.u32 @!p1 s8, $0x61;
	s10 =	simm.s32 @!p1 $0x300;
	s11 =	simm.s32 @!p1 $0x8400  }
0xf9: {  	[tilespmem:s11], [sflag:$0x3] =	stream.indirect.gather @!p1 [spmem:s2], $0x80, s10, s9, $0xb8;
	[tilespmem:$0x1A348] =	vst v63  }
0xfa: {  	p1 =	por p1, p2  }
0xfb: {  	s9 =	sshll.u32 @!p1 s8, $0x8  }
0xfc: {  	s9 =	sadd.s32 @!p1 s9, s15  }
0xfd: {  	s9 =	sshrl.u32 @!p1 s9, $0x3  }
0xfe: {  	s11 =	simm.s32 @!p1 $0x0;
	s10 =	sadd.s32 @!p1 s0, s9  }
0xff: {  	[tilespmem:s11], [sflag:$0x1] =	stream.linear.gather @!p1 [hbm4b:s10+s11], $0x80, $0x38;
	[tilespmem:$0x1A348] =	vst v63  }
0x100: {  	p2 =	seq.s32 @!p1 s8, $0x0;
	s9 =	sadd.s32 @!p1 s4, s9;
	s10 =	simm.s32 @!p1 $0x100  }
0x101: {  	[tilespmem:s10], [sflag:$0x1] =	stream.linear.gather @!p1 [hbm4b:s9+s11], $0x80, $0x38;
	[tilespmem:$0x1A348] =	vst v63  }
0x102: {  	p1 =	por p1, !p2  }
0x103: {  	_ =	swait.ge @p1 [sflag:s5], $0x4000  }
0x104: {  	[sflag:s5] =	ssyncset.done @p1 $0x0  }
0x105: {  	[sflag:s5] =	ssyncadd.s32 @p1 $0xFFFFC000  }
0x106: {  	_ =	swait.ge [sflag:s24], $0x4000  }
0x107: {  	[sflag:s24] =	ssyncset.done $0x0  }
0x108: {  	[sflag:s24] =	ssyncadd.s32 $0xFFFFC000  }
0x109: {  	_ =	swait.ge [sflag:s24], $0x4000  }
0x10a: {  	[sflag:s24] =	ssyncset.done $0x0  }
0x10b: {  	s9 =	simm.s32 $0x0;
	[sflag:s24] =	ssyncadd.s32 $0xFFFFC000  }
0x10c: {  	v1 =	vld [tilespmem:s9+$0x44B0]  }
0x10d: {  	v2 =	vld [tilespmem:s9+$0xC4F0]  }
0x10e: {  	v3 =	vld [tilespmem:s9+$0x4400]  }
0x10f: {  	v4 =	vld [tilespmem:s9+$0xC440]  }
0x110: {  	v5 =	vld [tilespmem:s9+$0x4410]  }
0x111: {  	v6 =	vld [tilespmem:s9+$0xC450]  }
0x112: {  	v7 =	vld [tilespmem:s9+$0x4420]  }
0x113: {  	v8 =	vld [tilespmem:s9+$0x4430]  }
0x114: {  	v1 =	vadd.f32 v2, v1;
	v2 =	vld [tilespmem:s9+$0xC460]  }
0x115: {  	v62 =	vld [tilespmem:s9+$0xC470]  }
0x116: {  	v63 =	vld [tilespmem:s9+$0xC4C0];
	v3 =	vadd.f32 v4, v3  }
0x117: {  	[tilespmem:s9+$0x144B0] =	vst v1;
	v1 =	vadd.f32 v6, v5;
	v6 =	vld [tilespmem:s9+$0x4480]  }
0x118: {  	v4 =	vld [tilespmem:s9+$0xC4D0];
	[tilespmem:s9+$0x14400] =	vst v3  }
0x119: {  	v3 =	vld [tilespmem:s9+$0x4490];
	[tilespmem:s9+$0x14410] =	vst v1;
	v1 =	vadd.f32 v2, v7  }
0x11a: {  	v5 =	vld [tilespmem:s9+$0xC4E0];
	v7 =	vadd.f32 v62, v8  }
0x11b: {  	s10 =	simm.s32 $0x100;
	[tilespmem:s9+$0x14420] =	vst v1;
	v1 =	vld [tilespmem:s9+$0x44A0]  }
0x11c: {  	s19 =	simm.s32 $0x800;
	v6 =	vadd.f32 v63, v6;
	v2 =	vld [tilespmem:s10+$0x44B0];
	[tilespmem:s9+$0x14430] =	vst v7  }
.LBB2_5:
0x11d: {  	p1 =	sne.s32 s19, $0xFC00;
	v7 =	vld [tilespmem:s10+$0xC4F0]  }
0x11e: {  	v8 =	vld [tilespmem:s10+$0x4400];
	[tilespmem:s9+$0x14480] =	vst v6;
	v3 =	vadd.f32 v4, v3  }
0x11f: {  	v4 =	vld [tilespmem:s10+$0xC440]  }
0x120: {  	v6 =	vld [tilespmem:s10+$0x4410];
	[tilespmem:s9+$0x14490] =	vst v3;
	v1 =	vadd.f32 v5, v1  }
0x121: {  	v3 =	vld [tilespmem:s10+$0xC450]  }
0x122: {  	v5 =	vld [tilespmem:s10+$0x4420];
	v2 =	vadd.f32 v7, v2;
	[tilespmem:s9+$0x144A0] =	vst v1;
	s9 =	smov.u32 s10  }
0x123: {  	v1 =	vld [tilespmem:s9+$0xC460]  }
0x124: {  	v4 =	vadd.f32 v4, v8;
	v7 =	vld [tilespmem:s9+$0x4430];
	[tilespmem:s9+$0x144B0] =	vst v2  }
0x125: {  	v2 =	vld [tilespmem:s9+$0xC470]  }
0x126: {  	[tilespmem:s9+$0x14400] =	vst v4;
	v3 =	vadd.f32 v3, v6;
	v6 =	vld [tilespmem:s9+$0x4480]  }
0x127: {  	v8 =	vld [tilespmem:s9+$0xC4C0]  }
.Ltmp1:
0x128: {  	[tilespmem:s9+$0x14410] =	vst v3;
	v1 =	vadd.f32 v1, v5;
	v3 =	vld [tilespmem:s9+$0x4490];
	(pc) =	sbr.rel @p1 .LBB2_5-.Ltmp1, $4  }
0x129: {  	v4 =	vld [tilespmem:s9+$0xC4D0]  }
0x12a: {  	[tilespmem:s9+$0x14420] =	vst v1;
	v7 =	vadd.f32 v2, v7;
	v1 =	vld [tilespmem:s9+$0x44A0]  }
0x12b: {  	s10 =	sshra.s32 s19, $0x2;
	v5 =	vld [tilespmem:s9+$0xC4E0]  }
0x12c: {  	s19 =	sadd.s32 $0x400, s19;
	v2 =	vld [tilespmem:s10+$0x44B0];
	[tilespmem:s9+$0x14430] =	vst v7;
	v6 =	vadd.f32 v8, v6  }
0x12d: {  	v7 =	vld [tilespmem:s10+$0xC4F0]  }
0x12e: {  	v8 =	vld [tilespmem:s10+$0x4400];
	[tilespmem:s9+$0x14480] =	vst v6;
	v3 =	vadd.f32 v4, v3  }
0x12f: {  	v57 =	vld [tilespmem:s10+$0xC440]  }
0x130: {  	v6 =	vld [tilespmem:s10+$0x4410];
	[tilespmem:s9+$0x14490] =	vst v3;
	v1 =	vadd.f32 v5, v1  }
0x131: {  	v3 =	vld [tilespmem:s10+$0xC450]  }
0x132: {  	v58 =	vld [tilespmem:s10+$0x4420];
	[tilespmem:s9+$0x144A0] =	vst v1  }
0x133: {  	v1 =	vadd.f32 v7, v2;
	v2 =	vld [tilespmem:s10+$0xC460]  }
0x134: {  	v59 =	vld [tilespmem:s10+$0x4430]  }
0x135: {  	v60 =	vld [tilespmem:s10+$0x4480]  }
0x136: {  	v61 =	vld [tilespmem:s10+$0xC4C0]  }
0x137: {  	v62 =	vld [tilespmem:s10+$0xC4D0]  }
0x138: {  	[tilespmem:s10+$0x144B0] =	vst v1;
	v1 =	vld [tilespmem:s10+$0xC470];
	v3 =	vadd.f32 v3, v6  }
0x139: {  	v63 =	vld [tilespmem:s10+$0xC4E0];
	v2 =	vadd.f32 v2, v58  }
0x13a: {  	[tilespmem:s10+$0x14410] =	vst v3;
	v3 =	vld [tilespmem:s10+$0x4490]  }
0x13b: {  	[tilespmem:s10+$0x14420] =	vst v2;
	v2 =	vld [tilespmem:s10+$0x44A0]  }
0x13c: {  	v4 =	vadd.f32 v57, v8  }
0x13d: {  	s19 =	sshll.u32 s8, $0xC;
	s8 =	sadd.s32 $0x1, s8;
	v1 =	vadd.f32 v1, v59  }
0x13e: {  	p1 =	sne.s32 s8, $0x64;
	[tilespmem:s10+$0x14400] =	vst v4;
	v4 =	vadd.f32 v61, v60  }
.Ltmp2:
0x13f: {  	[tilespmem:s10+$0x14430] =	vst v1;
	v1 =	vadd.f32 v62, v3;
	(pc) =	sbr.rel @p1 .LBB2_2-.Ltmp2, $4  }
0x140: {  	[tilespmem:s10+$0x14480] =	vst v4;
	v2 =	vadd.f32 v63, v2  }
0x141: {  	[tilespmem:s10+$0x14490] =	vst v1  }
0x142: {  	s9 =	sadd.s32 s17, s19;
	[tilespmem:s10+$0x144A0] =	vst v2  }
0x143: {  	[hbm4b:s9+s3] =	stream.linear.scatter [tilespmem:s25], [sflag:$0x6], $0x4000, $0x38;
	[tilespmem:$0x1A348] =	vst v63  }
0x144: {  	s7 =	sadd.s32 $0x1, s7  }
0x145: {  	_ =	swait.ge [sflag:s26], $0x4000;
	p1 =	sne.s32 s7, s16  }
.Ltmp3:
0x146: {  	[sflag:s26] =	ssyncset.done $0x0;
	(pc) =	sbr.rel @p1 .LBB2_1-.Ltmp3, $4  }
0x147: {  	[sflag:s26] =	ssyncadd.s32 $0xFFFFC000  }
0x148: {  	_ =	swait.ge [sflag:s5], $0x4000  }
0x149: {  	[sflag:s5] =	ssyncset.done $0x0  }
0x14a: {  	[sflag:s5] =	ssyncadd.s32 $0xFFFFC000  }
0x14b: {  	_ =	sfence.sel $0x180000  }
0x14c: {  	[bflag:$0x0] =	sbarrier.arrive $0xFFFF  }
0x14d: {  	_ =	strace $0x90000047  }
0x14e: {  	[bflag:$0x2] =	sbarrier.arrive $0xFFFF  }
0x14f: {  	s0 =	rddreg [dreg:$0x3]  }
0x150: {  	s0 =	sadd.s32 @!p0 $0x100000, s0  }
0x151: {  	[sflag:s0] =	ssyncadd.tile.s32 @!p0 $0x1;
	_ =	shalt  }
.Lfunc_end2:
_tile_overlayer_lowered:
.L_overlay_start_2:
0x152: {  	(tag) =	ssettag $0x2  }
0x153: {  	s0 =	rddreg [dreg:$0x0];
	s2 =	stileid.u32  }
0x154: {  	s1 =	rddreg [dreg:$0x1];
	p0 =	sne.s32 s2, $0x0  }
0x155: {  	s3 =	rddreg [dreg:$0x2];
	[bflag:$0x3] =	sbarrier.arrive $0xFFFF;
	s2 =	simm.s32 @!p0 $0x1C07  }
0x156: {  	[timem:s3], [sflag:s2] =	dma.local @!p0 [hbm:s0], s1  }
0x157: {  	s0 =	simm.s32 @!p0 $0x7  }
0x158: {  	_ =	swait.ge @!p0 [sflag:s0], s1  }
0x159: {  	s1 =	ssub.s32 @!p0 $0x0, s1;
	[sflag:s0] =	ssyncset.done @!p0 $0x0  }
0x15a: {  	[sflag:s0] =	ssyncadd.s32 @!p0 s1  }
0x15b: {  	[bflag:$0x3] =	sbarrier.arrive $0xFFFF  }
0x15c: {  	_ =	shalt  }

// kernel: sparse-core-data-format-call.cloned.1.call-start
scs
called_computation_lowered:
.L_overlay_start_0:
0x0: {  	s2 =	sld [smem:$0x3FD9]  }
0x1: {  	s3 =	sld [smem:$0x3FFE];
	_ =	sdelay $0x1  }
0x2: {  	s1 =	srdreg.scid  }
0x3: {  	s0 =	sand.u32 $0x1, s1  }
0x4: {  	s18 =	sshll.u32 s0, $0xA;
	s2 =	sadd.s32 s3, s2  }
0x5: {  	s2 =	sadd.s32 s2, s18  }
0x6: {  	[smem:$0x3FC5] =	sst s2  }
0x7: {  	_ = 	snop  }
0x8: {  	s2 =	sld [smem:$0x3FD0];
	(tm) =	ssettm $0x1  }
0x9: {  	s19 =	sld [smem:$0x3FFB];
	_ =	sdelay $0x3  }
0xa: {  	_ =	strace s19  }
0xb: {  	s3 =	sld [smem:$0x3FFC];
	_ =	sdelay $0x3  }
0xc: {  	_ =	strace s3  }
0xd: {  	s3 =	sld [smem:$0x3FFD];
	_ =	sdelay $0x3  }
0xe: {  	_ =	strace s3  }
0xf: {  	_ =	strace $0x8FFFFFFF  }
0x10: {  	s20 =	sld [smem:$0x3FDB];
	_ =	sdelay $0x1  }
0x11: {  	s4 =	simm.s32 $_scs_section_size  }
0x12: {  	s5 =	simm.s32 $_size__tile_overlayer_lowered;
	s6 =	simm.s32 $_tile_overlayer_lowered  }
0x13: {  	s23 =	simm.s32 $0x1BFF;
	s22 =	sshll.u32 s6, $0x1;
	s3 =	sadd.s32 s4, s20  }
0x14: {  	s7 =	simm.s32 $0x0;
	s21 =	sshll.u32 s5, $0x1;
	s5 =	sadd.s32 s22, s3  }
0x15: {  	[timem:s7], [sflag:s23] =	dma.local [hbm:s5], s21  }
0x16: {  	_ =	swait.ge [sflag:s23], s21  }
0x17: {  	s4 =	ssub.s32 $0x0, s21;
	[sflag:s23] =	ssyncset.done $0x0  }
0x18: {  	[sflag:s23] =	ssyncadd.s32 s4;
	_ =	sdelay $0x1  }
0x19: {  	s24 =	simm.s32 $0x1B8B  }
0x1a: {  	_ =	swait.ge [sflag:s24], $0x1  }
0x1b: {  	[sflag:s24] =	ssyncset.done $0x0  }
0x1c: {  	s26 =	simm.s32 $0x1B8E;
	s25 =	sld [smem:$0x3FFE];
	[sflag:s24] =	ssyncadd.s32 $0xFFFFFFFF  }
0x1d: {  	s27 =	simm.s32 $execute0_lowered;
	[smem:$0x3FD2] =	sst s26  }
0x1e: {  	s5 =	sshll.u32 s27, $0x1;
	_ =	strace $0x80000049;
	[dreg:$0x1] =	wrdreg $0xFFFFFFFF  }
0x1f: {  	s28 =	simm.s32 $_size_execute0_lowered;
	s3 =	sadd.s32 s3, s5;
	[dreg:$0x0] =	wrdreg $0x0  }
0x20: {  	s5 =	sshll.u32 s28, $0x1;
	[dreg:$0x2] =	wrdreg s3  }
0x21: {  	[dreg:$0x3] =	wrdreg s5  }
0x22: {  	[dreg:$0x4] =	wrdreg $0xC0  }
0x23: {  	_ =	task [dreg:s7], $0x5FFFF  }
0x24: {  	[dreg:$0x1] =	wrdreg $0xFFFFFFFF  }
0x25: {  	[dreg:$0x0] =	wrdreg $0x60  }
0x26: {  	[dreg:$0x2] =	wrdreg s25  }
0x27: {  	[dreg:$0x3] =	wrdreg s2  }
0x28: {  	[dreg:$0x4] =	wrdreg $0x9  }
0x29: {  	_ =	task.clear_ibuf [dreg:s7], $0x5FFFF;
	_ =	strace $0x90000049  }
0x2a: {  	s29 =	simm.s32 $0x9;
	_ =	strace $0x8000004B  }
0x2b: {  	_ =	swait.ge [sflag:s29], $0x1  }
0x2c: {  	[sflag:s29] =	ssyncadd.s32 $0xFFFFFFFF  }
0x2d: {  	_ =	strace $0x9000004B  }
0x2e: {  	_ =	sfence  }
0x2f: {  	s30 =	sld [smem:$0x0];
	_ =	sdelay $0x2  }
0x30: {  	s31 =	sshll.u32 s1, $0xD;
	s1 =	sshrl.u32 s1, $0x2  }
0x31: {  	s3 =	sand.u32 $0x4000, s31;
	s1 =	sadd.s32 s1, s30  }
0x32: {  	s0 =	sor.u32 s3, s0;
	s1 =	sshll.u32 s1, $0x11  }
0x33: {  	s0 =	sor.u32 s1, s0  }
0x34: {  	s0 =	sadd.s32 $0x8F2B, s0  }
0x35: {  	[sflag:s0] =	ssyncadd.remote.s32 $0x1  }
0x36: {  	_ =	sfence.sel $0xFFFF  }
0x37: {  	[dreg:$0x0] =	wrdreg $0xFFFFFFFF;
	(pc) =	sbr.abs _section_cstart, $3  }
0x38: {  	[dreg:$0x1] =	wrdreg $0xFFFFFFFF  }
0x39: {  	_ =	task.clear_ibuf [dreg:s7], $0x2FFFF;
	_ =	strace $0x9FFFFFFF  }
0x3a: {  	(tm) =	ssettm $0x7FFFFFFF  }
0x3b: {  	_ =	shalt  }
tec
execute0_lowered:
.L_overlay_start_1:
0x0: {  	(tag) =	ssettag $0x1  }
0x1: {  	s0 =	srdreg.scid  }
0x2: {  	s1 =	sshll.u32 s0, $0x4  }
0x3: {  	s0 =	stileid.u32;
	s1 =	sand.u32 $0x10, s1  }
0x4: {  	s1 =	sor.u32 s0, s1  }
0x5: {  	s6 =	rddreg [dreg:$0x0];
	s4 =	simm.s32 $0x1;
	s2 =	sshll.u32 s1, $0x7  }
0x6: {  	s7 =	simm.s32 $0x2;
	s12 =	simm.s32 $0x0;
	s1 =	ssub.s32 $0x1000, s2  }
0x7: {  	s8 =	simm.s32 $0x8000;
	s13 =	simm.s32 $0x0;
	s3 =	sand.u32 $0xF80, s1  }
0x8: {  	s9 =	simm.s32 $0x0;
	s5 =	sshrl.u32 s1, $0xC;
	p0 =	sne.s32 s3, $0x0  }
.Ltmp0:
0x9: {  	s1 =	rddreg [dreg:$0x2];
	s4 =	simm.s32 @!p0 $0x0;
	(pc) =	sbr.rel .LBB1_1-.Ltmp0, $4  }
0xa: {  	s11 =	simm.s32 $0x0;
	s3 =	rddreg [dreg:$0x1];
	s5 =	sadd.s32 s4, s5  }
0xb: {  	_ =	strace $0x8000004A;
	s4 =	simm.s32 $0x1;
	s5 =	smul.u32 $0xC8, s5  }
0xc: {  	s6 =	sadd.s32 $0x1DC00, s6;
	s10 =	smov.u32 s2;
	[sflag:s4] =	ssyncpa.u1 $0x0  }
0xd: {  	p0 =	por $0x0, $0x0;
	[sflag:s7] =	ssyncpa.u1 $0x0;
	s7 =	sor.u32 $0x1, s5  }
.LBB1_4:
0xe: {  	s16 =	sshll.u32 s13, $0x3;
	s17 =	sand.u32 $0x78, s13  }
0xf: {  	s30 =	sand.u32 $0x7E00, s13;
	s12 =	sshll.u32 s12, $0xF;
	s16 =	sand.u32 $0xC00, s16  }
0x10: {  	[tilespmem:s15+$0x810 ss:$0x81] =	vst.msk $0xffff, v2;
	s31 =	sand.u32 $0x7, s13;
	s16 =	sor.u32 s17, s16;
	s17 =	sadd.s32 s3, s30  }
0x11: {  	[tilespmem:s15+$0x1020 ss:$0x81] =	vst.msk $0xffff, v0;
	s13 =	sshll.u32 s31, $0x12;
	s12 =	sadd.s32 s12, s17;
	s16 =	sshrl.u32 s16, $0x3  }
0x12: {  	[tilespmem:s15+$0x0 ss:$0x81] =	vst.msk $0xffff, v1;
	s13 =	sor.u32 $0x400, s13;
	s12 =	sadd.s32 s16, s12  }
0x13: {  	[hbm4b:s12+s13] =	stream.strided.scatter [tilespmem:s14], [sflag:$0x2], $0x2000, s8, s13, $0x20;
	[tilespmem:$0x8080] =	vst v63  }
.LBB1_5:
0x14: {  	s14 =	sadd.s32 $0x1, s9  }
0x15: {  	s12 =	sadd.s32 $0x1000, s10;
	s16 =	smov.u32 s10;
	p2 =	sgt.s32 s14, $0xC7  }
0x16: {  	s16 =	smov.u32 @p2 s12  }
0x17: {  	s14 =	simm.s32 @p2 $0x0;
	p2 =	sgt.s32 s16, $0xFFF  }
0x18: {  	s16 =	smov.u32 @p2 s2;
	p2 =	sne.s32 s11, s7  }
.Ltmp1:
0x19: {  	p1 =	slt.u32 s11, $0x2;
	(pc) =	sbr.rel @!p2 .LBB1_6-.Ltmp1, $4  }
0x1a: {  	s15 =	simm.s32 @!p1 $0x2  }
0x1b: {  	s13 =	smov.u32 s10;
	p0 =	por !p0, !p0;
	_ =	swait.ge @!p1 [sflag:s15], $0x2000  }
0x1c: {  	s12 =	smov.u32 s9;
	[sflag:s15] =	ssyncset.done @!p1 $0x0;
	s9 =	smov.u32 s14  }
0x1d: {  	s11 =	sadd.s32 $0x1, s11;
	[sflag:s15] =	ssyncadd.s32 @!p1 $0xFFFFE000;
	s10 =	smov.u32 s16  }
.LBB1_1:
0x1e: {  	p1 =	sge.u32 s11, s5  }
0x1f: {  	s14 =	sand.u32 @!p1 $0x1FFFFFF, s9  }
0x20: {  	s15 =	smulhi.u32 @!p1 $0x147AE15, s14;
	_ =	sdelay $0x1  }
0x21: {  	s15 =	smul.u32 @!p1 $0xC8, s15  }
0x22: {  	s16 =	sxor.u32 @!p1 $0xFFFFFFFF, s11;
	s17 =	smul.u32 @!p1 $0xC80, s10  }
0x23: {  	s31 =	sadd.s32 $0xFFFFFFFF, s11;
	s16 =	sshll.u32 @!p1 s16, $0xD;
	s14 =	ssub.s32 @!p1 s14, s15  }
0x24: {  	s15 =	sand.u32 @!p1 $0x2000, s16;
	s16 =	sadd.s32 @!p1 s6, s17;
	s14 =	sshll.u32 @!p1 s14, $0x4  }
0x25: {  	s17 =	simm.s32 @!p1 $0x6400;
	s14 =	sadd.s32 @!p1 s14, s16;
	s16 =	simm.s32 @!p1 $0x40  }
0x26: {  	[tilespmem:s15], [sflag:$0x1] =	stream.strided.gather @!p1 [hbm4b:s14+s16], $0x2000, s17, s16, $0x38;
	[tilespmem:$0x8080] =	vst v63  }
0x27: {  	p1 =	sge.u32 s31, s5  }
.Ltmp2:
0x28: {  	_ = 	snop;
	(pc) =	sbr.rel @p1 .LBB1_5-.Ltmp2, $1  }
0x29: {  	_ =	sdelay $0x3  }
0x2a: {  	s14 =	simm.s32 $0x1  }
0x2b: {  	_ =	swait.ge [sflag:s4], $0x2000;
	s14 =	simm.s32 @!p0 $0x0  }
0x2c: {  	[sflag:s4] =	ssyncset.done $0x0;
	s15 =	sshll.u32 s14, $0xD  }
0x2d: {  	[sflag:s4] =	ssyncadd.s32 $0xFFFFE000;
	s18 =	sor.u32 $0x20, s15  }
0x2e: {  	s14 =	smul.u32 $0x8100, s14;
	v3 =	vld [tilespmem:s18+$0x10]  }
0x2f: {  	s30 =	sand.u32 $0x1, s11;
	v2 =	vld [tilespmem:s18+$0xFFFFFFF0]  }
0x30: {  	s15 =	smul.u32 $0x8100, s30;
	s14 =	sshrl.u32 s14, $0x2;
	v0 =	vld [tilespmem:s18+$0x0]  }
0x31: {  	v1 =	vld [tilespmem:s18+$0xFFFFFFE0];
	s16 =	sor.u32 $0x4000, s14  }
0x32: {  	s31 =	sshrl.u32 s15, $0x2;
	s15 =	sadd.s32 $0x0, s16  }
0x33: {  	s17 =	simm.s32 $0x4;
	s18 =	sadd.s32 $0x40, s18;
	s14 =	sor.u32 $0x4000, s31;
	[tilespmem:s15+$0x1830 ss:$0x81] =	vst.msk $0xffff, v3  }
.LBB1_3:
0x34: {  	v3 =	vld [tilespmem:s18+$0x10];
	p1 =	sne.s32 s17, $0x1FC;
	[tilespmem:s15+$0x810 ss:$0x81] =	vst.msk $0xffff, v2;
	s19 =	smov.u32 s17;
	s17 =	sadd.s32 $0x4, s17  }
.Ltmp3:
0x35: {  	v2 =	vld [tilespmem:s18+$0xFFFFFFF0];
	[tilespmem:s15+$0x1020 ss:$0x81] =	vst.msk $0xffff, v0;
	(pc) =	sbr.rel @p1 .LBB1_3-.Ltmp3, $4  }
0x36: {  	v0 =	vld [tilespmem:s18+$0x0];
	[tilespmem:s15+$0x0 ss:$0x81] =	vst.msk $0xffff, v1  }
0x37: {  	s15 =	sshra.s32 s19, $0x2;
	v1 =	vld [tilespmem:s18+$0xFFFFFFE0]  }
0x38: {  	s15 =	sadd.s32 s15, s16  }
0x39: {  	s18 =	sadd.s32 $0x40, s18;
	[tilespmem:s15+$0x1830 ss:$0x81] =	vst.msk $0xffff, v3  }
.Ltmp4:
0x3a: {  	_ = 	snop;
	(pc) =	sbr.rel .LBB1_4-.Ltmp4, $1  }
0x3b: {  	_ =	sdelay $0x3  }
.LBB1_6:
0x3c: {  	_ =	sfence.sel $0x180000  }
0x3d: {  	s2 =	simm.s32 $0x1;
	[bflag:$0x0] =	sbarrier.arrive $0xFFFF  }
0x3e: {  	s31 =	simm.s32 $0x2;
	[sflag:s2] =	ssyncpa.u1 $0x1  }
0x3f: {  	[sflag:s31] =	ssyncpa.u1 $0x1  }
0x40: {  	p0 =	sne.s32 s0, $0x0;
	_ =	strace $0x9000004A  }
0x41: {  	s0 =	sadd.s32 @!p0 $0x100000, s1;
	[bflag:$0x2] =	sbarrier.arrive $0xFFFF  }
0x42: {  	[sflag:s0] =	ssyncadd.tile.s32 @!p0 $0x1;
	_ =	shalt  }
.Lfunc_end1:
_tile_overlayer_lowered:
.L_overlay_start_2:
0x43: {  	(tag) =	ssettag $0x2  }
0x44: {  	s0 =	rddreg [dreg:$0x0];
	s2 =	stileid.u32  }
0x45: {  	s1 =	rddreg [dreg:$0x1];
	p0 =	sne.s32 s2, $0x0  }
0x46: {  	s3 =	rddreg [dreg:$0x2];
	[bflag:$0x3] =	sbarrier.arrive $0xFFFF;
	s2 =	simm.s32 @!p0 $0x1C01  }
0x47: {  	[timem:s3], [sflag:s2] =	dma.local @!p0 [hbm:s0], s1  }
0x48: {  	s0 =	simm.s32 @!p0 $0x1  }
0x49: {  	_ =	swait.ge @!p0 [sflag:s0], s1  }
0x4a: {  	s1 =	ssub.s32 @!p0 $0x0, s1;
	[sflag:s0] =	ssyncset.done @!p0 $0x0  }
0x4b: {  	[sflag:s0] =	ssyncadd.s32 @!p0 s1  }
0x4c: {  	[bflag:$0x3] =	sbarrier.arrive $0xFFFF  }
0x4d: {  	_ =	shalt  }

</sc_bundles>
